<compile_context>
chip_gen: v7x
topology: tpu7x:2x2x1
jax: 0.10.2.dev20260603
libtpu: 0.0.44.dev20260713+nightly
codegen_flags: <defaults>
</compile_context>

<pallas_src>
import jax
import jax.numpy as jnp
from jax import lax
from jax.experimental import pallas as pl
from jax.experimental.pallas import tpu as pltpu
from jax.experimental.pallas import tpu_sc as plsc

QBLK = 1024
NB_SC = 4
M = 1024
N = 4096
B = 16
NWORK = 32
CH = NB_SC * N // NWORK


def _threenn_block(u_ref, kt_ref, dist_ref, idx_ref):
    u = u_ref[0]
    kt = kt_ref[0]
    ux, uy, uz = u[:, 0:1], u[:, 1:2], u[:, 2:3]
    kx, ky, kz = kt[0:1, :], kt[1:2, :], kt[2:3, :]

    dotm2 = jnp.dot((-2.0 * u).astype(jnp.bfloat16), kt.astype(jnp.bfloat16),
                    preferred_element_type=jnp.float32)
    su = ux * ux + uy * uy + uz * uz
    sk = kx * kx + ky * ky + kz * kz
    d = dotm2 + su + sk

    iota = jax.lax.broadcasted_iota(jnp.int32, d.shape, 1).astype(jnp.float32)
    big = jnp.float32(d.shape[-1])
    for k in range(3):
        mn = jnp.min(d, axis=1, keepdims=True)
        im = jnp.min(jnp.where(d == mn, iota, big), axis=1, keepdims=True)
        dist_ref[0, :, pl.ds(k, 1)] = mn
        idx_ref[0, :, pl.ds(k, 1)] = im.astype(jnp.int32)
        if k < 2:
            d = jnp.where(iota == im, jnp.inf, d)


def _tc_threenn(unknown, known):
    b, n, _ = unknown.shape
    m = known.shape[1]
    kt = known.transpose(0, 2, 1)
    grid = (b, n // QBLK)
    return pl.pallas_call(
        _threenn_block,
        grid=grid,
        in_specs=[
            pl.BlockSpec((1, QBLK, 3), lambda i, j: (i, j, 0)),
            pl.BlockSpec((1, 3, m), lambda i, j: (i, 0, 0)),
        ],
        out_specs=[
            pl.BlockSpec((1, QBLK, 3), lambda i, j: (i, j, 0)),
            pl.BlockSpec((1, QBLK, 3), lambda i, j: (i, j, 0)),
        ],
        out_shape=[
            jax.ShapeDtypeStruct((b, n, 3), jnp.float32),
            jax.ShapeDtypeStruct((b, n, 3), jnp.int32),
        ],
    )(unknown, kt)


def _sc_body(qx_h, qy_h, qz_h, su_h, kx_h, ky_h, kz_h, sk_h,
             dist_h, idx_h,
             qx_v, qy_v, qz_v, su_v, kx_v, ky_v, kz_v, sk_v,
             dist_v, idx_v):
    wid = lax.axis_index("s") * 2 + lax.axis_index("c")
    qbase = wid * CH
    kbase = (qbase // N) * M

    pltpu.sync_copy(qx_h.at[pl.ds(qbase, CH)], qx_v)
    pltpu.sync_copy(qy_h.at[pl.ds(qbase, CH)], qy_v)
    pltpu.sync_copy(qz_h.at[pl.ds(qbase, CH)], qz_v)
    pltpu.sync_copy(su_h.at[pl.ds(qbase, CH)], su_v)
    pltpu.sync_copy(kx_h.at[pl.ds(kbase, M)], kx_v)
    pltpu.sync_copy(ky_h.at[pl.ds(kbase, M)], ky_v)
    pltpu.sync_copy(kz_h.at[pl.ds(kbase, M)], kz_v)
    pltpu.sync_copy(sk_h.at[pl.ds(kbase, M)], sk_v)

    inf16 = jnp.full((16,), jnp.inf, jnp.float32)
    zero16 = jnp.zeros((16,), jnp.int32)
    four16 = jnp.full((16,), 4, jnp.int32)

    UNROLL = 16
    NCHAIN = 4

    def lt(va, ia, vb, ib):
        return (va < vb) | ((va == vb) & (ia < ib))

    def merge3(a, b):
        a1v, a2v, a3v, a1i, a2i, a3i = a
        b1v, b2v, b3v, b1i, b2i, b3i = b
        w1 = lt(a1v, a1i, b1v, b1i)
        o1v = jnp.where(w1, a1v, b1v)
        o1i = jnp.where(w1, a1i, b1i)
        ahv = jnp.where(w1, a2v, a1v)
        ahi = jnp.where(w1, a2i, a1i)
        anv = jnp.where(w1, a3v, a2v)
        ani = jnp.where(w1, a3i, a2i)
        bhv = jnp.where(w1, b1v, b2v)
        bhi = jnp.where(w1, b1i, b2i)
        bnv = jnp.where(w1, b2v, b3v)
        bni = jnp.where(w1, b2i, b3i)
        w2 = lt(ahv, ahi, bhv, bhi)
        o2v = jnp.where(w2, ahv, bhv)
        o2i = jnp.where(w2, ahi, bhi)
        ah2v = jnp.where(w2, anv, ahv)
        ah2i = jnp.where(w2, ani, ahi)
        bh2v = jnp.where(w2, bhv, bnv)
        bh2i = jnp.where(w2, bhi, bni)
        w3 = lt(ah2v, ah2i, bh2v, bh2i)
        o3v = jnp.where(w3, ah2v, bh2v)
        o3i = jnp.where(w3, ah2i, bh2i)
        return o1v, o2v, o3v, o1i, o2i, o3i

    def per_group(g, _):
        goff = g * 16
        qxv = qx_v[pl.ds(goff, 16)]
        qyv = qy_v[pl.ds(goff, 16)]
        qzv = qz_v[pl.ds(goff, 16)]
        suv = su_v[pl.ds(goff, 16)]

        def per_cand(j, carry):
            chains = list(carry)
            goff16 = j * UNROLL
            kxg = kx_v[pl.ds(goff16, UNROLL)]
            kyg = ky_v[pl.ds(goff16, UNROLL)]
            kzg = kz_v[pl.ds(goff16, UNROLL)]
            skg = sk_v[pl.ds(goff16, UNROLL)]
            for jl in range(UNROLL):
                c = jl % NCHAIN
                m1, m2, m3, i1, i2, i3, iv = chains[c]
                kxs = jnp.full((16,), kxg[jl], jnp.float32)
                kys = jnp.full((16,), kyg[jl], jnp.float32)
                kzs = jnp.full((16,), kzg[jl], jnp.float32)
                sks = jnp.full((16,), skg[jl], jnp.float32)
                d = qxv * kxs + qyv * kys + qzv * kzs + suv + sks
                iv = iv + four16
                c1 = d < m1
                c2 = d < m2
                c3 = d < m3
                m3n = jnp.where(c3, jnp.where(c2, m2, d), m3)
                i3n = jnp.where(c3, jnp.where(c2, i2, iv), i3)
                m2 = jnp.where(c2, jnp.where(c1, m1, d), m2)
                i2 = jnp.where(c2, jnp.where(c1, i1, iv), i2)
                m1 = jnp.where(c1, d, m1)
                i1 = jnp.where(c1, iv, i1)
                chains[c] = (m1, m2, m3n, i1, i2, i3n, iv)
            return tuple(chains)

        init = tuple(
            (inf16, inf16, inf16, zero16, zero16, zero16,
             jnp.full((16,), c - NCHAIN, jnp.int32))
            for c in range(NCHAIN))
        chains = lax.fori_loop(0, M // UNROLL, per_cand, init)

        tri = [ch[:6] for ch in chains]
        ab = merge3(tri[0], tri[1])
        cd = merge3(tri[2], tri[3])
        m1, m2, m3, i1, i2, i3 = merge3(ab, cd)

        dist_v[pl.ds(goff, 16)] = m1
        dist_v[pl.ds(CH + goff, 16)] = m2
        dist_v[pl.ds(2 * CH + goff, 16)] = m3
        idx_v[pl.ds(goff, 16)] = i1
        idx_v[pl.ds(CH + goff, 16)] = i2
        idx_v[pl.ds(2 * CH + goff, 16)] = i3
        return 0

    lax.fori_loop(0, CH // 16, per_group, 0)

    pltpu.sync_copy(dist_v, dist_h.at[pl.ds(qbase * 3, CH * 3)])
    pltpu.sync_copy(idx_v, idx_h.at[pl.ds(qbase * 3, CH * 3)])


def _sc_threenn(unknown, known):
    bf = lambda x: lax.optimization_barrier(
        x.astype(jnp.bfloat16)).astype(jnp.float32)
    um2 = bf(-2.0 * unknown)
    kb = bf(known)
    qx = um2[..., 0].reshape(-1)
    qy = um2[..., 1].reshape(-1)
    qz = um2[..., 2].reshape(-1)
    su = (unknown[..., 0] * unknown[..., 0]
          + unknown[..., 1] * unknown[..., 1]
          + unknown[..., 2] * unknown[..., 2]).reshape(-1)
    sk = (known[..., 0] * known[..., 0]
          + known[..., 1] * known[..., 1]
          + known[..., 2] * known[..., 2]).reshape(-1)
    kxs = kb[..., 0].reshape(-1)
    kys = kb[..., 1].reshape(-1)
    kzs = kb[..., 2].reshape(-1)

    mesh = plsc.VectorSubcoreMesh(core_axis_name="c", subcore_axis_name="s")
    fn = pl.kernel(
        _sc_body,
        mesh=mesh,
        out_type=[
            jax.ShapeDtypeStruct((NB_SC * N * 3,), jnp.float32),
            jax.ShapeDtypeStruct((NB_SC * N * 3,), jnp.int32),
        ],
        scratch_types=[
            pltpu.VMEM((CH,), jnp.float32),
            pltpu.VMEM((CH,), jnp.float32),
            pltpu.VMEM((CH,), jnp.float32),
            pltpu.VMEM((CH,), jnp.float32),
            pltpu.VMEM((M,), jnp.float32),
            pltpu.VMEM((M,), jnp.float32),
            pltpu.VMEM((M,), jnp.float32),
            pltpu.VMEM((M,), jnp.float32),
            pltpu.VMEM((CH * 3,), jnp.float32),
            pltpu.VMEM((CH * 3,), jnp.int32),
        ],
    )
    dist, idx = fn(qx, qy, qz, su, kxs, kys, kzs, sk)
    wpb = N // CH
    def unpack(a):
        return (a.reshape(NB_SC, wpb, 3, CH)
                 .transpose(0, 1, 3, 2)
                 .reshape(NB_SC, N, 3))
    return unpack(dist), unpack(idx)


@jax.jit
def kernel(unknown, known):
    nb_tc = B - NB_SC
    dist_tc, idx_tc = _tc_threenn(unknown[:nb_tc], known[:nb_tc])
    dist_sc, idx_sc = _sc_threenn(unknown[nb_tc:], known[nb_tc:])
    dist = jnp.concatenate([dist_tc, dist_sc], axis=0)
    idx = jnp.concatenate([idx_tc, idx_sc], axis=0)
    return dist, idx

# --- scband reference (transcript-rebuilt; emitter-appended) ---
"""Pipeline reference for scband-three-nn-15006615733861 (READ-ONLY COPY).

The authoritative reference and input builder live on the scoring server;
editing this copy changes nothing except your own understanding.
"""

import jax, jax.numpy as jnp
import numpy as np


def setup_inputs(seed: int = 0) -> dict:
    key = jax.random.key(seed)
    k1, k2 = jax.random.split(key)
    unknown = jax.random.normal(k1, (16, 4096, 3), dtype=jnp.float32)
    known = jax.random.normal(k2, (16, 1024, 3), dtype=jnp.float32)
    return {"unknown": unknown, "known": known}


def _square_distance(src, dst):
    # src: [B, S, C], dst: [B, N, C] -> [B, S, N]
    dist = -2.0 * jnp.einsum("bsc,bnc->bsn", src, dst)
    dist = dist + jnp.sum(src ** 2, axis=-1)[..., None]
    dist = dist + jnp.sum(dst ** 2, axis=-1)[:, None, :]
    return dist


def reference(unknown, known):
    # knn_query(k=3, points=known, query_points=unknown)
    d = _square_distance(unknown, known)  # [B, N, M]
    neg_topd, idx = jax.lax.top_k(-d, 3)  # smallest 3 distances, sorted ascending
    dist = -neg_topd
    return dist, idx

if __name__ == "__main__":
    import jax
    _d = setup_inputs()
    print(jax.jit(kernel)(*tuple(_d.values())))

</pallas_src>

<mosaic_0001>
#map = affine_map<(d0, d1) -> (0)>
module attributes {stable_mosaic.version = 14 : i64} {
  func.func @_sc_body(%arg0: i32, %arg1: i32, %arg2: memref<16384xf32, #tpu.memory_space<hbm>>, %arg3: memref<16384xf32, #tpu.memory_space<hbm>>, %arg4: memref<16384xf32, #tpu.memory_space<hbm>>, %arg5: memref<16384xf32, #tpu.memory_space<hbm>>, %arg6: memref<4096xf32, #tpu.memory_space<hbm>>, %arg7: memref<4096xf32, #tpu.memory_space<hbm>>, %arg8: memref<4096xf32, #tpu.memory_space<hbm>>, %arg9: memref<4096xf32, #tpu.memory_space<hbm>>, %arg10: memref<49152xf32, #tpu.memory_space<hbm>>, %arg11: memref<49152xi32, #tpu.memory_space<hbm>>, %arg12: memref<512xf32, #tpu.memory_space<vmem>>, %arg13: memref<512xf32, #tpu.memory_space<vmem>>, %arg14: memref<512xf32, #tpu.memory_space<vmem>>, %arg15: memref<512xf32, #tpu.memory_space<vmem>>, %arg16: memref<1024xf32, #tpu.memory_space<vmem>>, %arg17: memref<1024xf32, #tpu.memory_space<vmem>>, %arg18: memref<1024xf32, #tpu.memory_space<vmem>>, %arg19: memref<1024xf32, #tpu.memory_space<vmem>>, %arg20: memref<1536xf32, #tpu.memory_space<vmem>>, %arg21: memref<1536xi32, #tpu.memory_space<vmem>>) attributes {dimension_semantics = [#tpu.dimension_semantics<core_parallel>, #tpu.dimension_semantics<subcore_parallel>], iteration_bounds = array<i64: 2, 16>, scalar_prefetch = 0 : i64, scratch_operands = 10 : i64, tpu.core_type = #tpu.core_type<sc_vector_subcore>, window_params = [{transform_indices = #map}, {transform_indices = #map}, {transform_indices = #map}, {transform_indices = #map}, {transform_indices = #map}, {transform_indices = #map}, {transform_indices = #map}, {transform_indices = #map}, {transform_indices = #map}, {transform_indices = #map}]} {
    %mul3A = arith.constant 2 : i32
    %mul3A_0 = arith.muli %arg1, %mul3A : i32
    %add3A = arith.addi %mul3A_0, %arg0 : i32
    %mul3A_1 = arith.constant 512 : i32
    %mul3A_2 = arith.muli %add3A, %mul3A_1 : i32
    %jit3A = arith.constant 4096 : i32
    %div3A = arith.divsi %mul3A_2, %jit3A : i32
    %sign3A = arith.constant 0 : i32
    %sign3A_3 = arith.cmpi sgt, %mul3A_2, %sign3A : i32
    %sign3A_4 = arith.extui %sign3A_3 : i1 to i32
    %sign3A_5 = arith.constant 0 : i32
    %sign3A_6 = arith.cmpi slt, %mul3A_2, %sign3A_5 : i32
    %sign3A_7 = arith.extui %sign3A_6 : i1 to i32
    %sign3A_8 = arith.subi %sign3A_4, %sign3A_7 : i32
    %sign3A_9 = arith.constant 0 : i32
    %sign3A_10 = arith.cmpi sgt, %jit3A, %sign3A_9 : i32
    %sign3A_11 = arith.extui %sign3A_10 : i1 to i32
    %sign3A_12 = arith.constant 0 : i32
    %sign3A_13 = arith.cmpi slt, %jit3A, %sign3A_12 : i32
    %sign3A_14 = arith.extui %sign3A_13 : i1 to i32
    %sign3A_15 = arith.subi %sign3A_11, %sign3A_14 : i32
    %ne3A = arith.cmpi ne, %sign3A_8, %sign3A_15 : i32
    %rem3A = arith.remsi %mul3A_2, %jit3A : i32
    %ne3A_16 = arith.constant 0 : i32
    %ne3A_17 = arith.cmpi ne, %rem3A, %ne3A_16 : i32
    %and3A = arith.andi %ne3A, %ne3A_17 : i1
    %sub3A = arith.constant 1 : i32
    %sub3A_18 = arith.subi %div3A, %sub3A : i32
    %select_n3A = arith.select %and3A, %sub3A_18, %div3A : i32
    %mul3A_19 = arith.constant 1024 : i32
    %mul3A_20 = arith.muli %select_n3A, %mul3A_19 : i32
    "tpu.region"() ({
      %run_scoped3A = tpu.sem_alloc : memref<!tpu.dma_semaphore, #tpu.memory_space<semaphore_mem>>
      %dma_start3A = tpu.memref_slice %arg2[%mul3A_2] : memref<16384xf32, #tpu.memory_space<hbm>> -> memref<512xf32, #tpu.memory_space<hbm>>
      %dma_start3A_36 = tpu.memref_slice %arg2[%mul3A_2] : memref<16384xf32, #tpu.memory_space<hbm>> -> memref<512xf32, #tpu.memory_space<hbm>>
      tpu.enqueue_dma source(%dma_start3A_36 : memref<512xf32, #tpu.memory_space<hbm>>) target(%arg12 : memref<512xf32, #tpu.memory_space<vmem>>) target_semaphore(%run_scoped3A : memref<!tpu.dma_semaphore, #tpu.memory_space<semaphore_mem>>)
      %dma_wait3A = tpu.memref_slice %arg2[%mul3A_2] : memref<16384xf32, #tpu.memory_space<hbm>> -> memref<512xf32, #tpu.memory_space<hbm>>
      %dma_wait3A_37 = tpu.memref_slice %arg2[%mul3A_2] : memref<16384xf32, #tpu.memory_space<hbm>> -> memref<512xf32, #tpu.memory_space<hbm>>
      tpu.wait_dma2 semaphore(%run_scoped3A : memref<!tpu.dma_semaphore, #tpu.memory_space<semaphore_mem>>) src(%dma_wait3A_37 : memref<512xf32, #tpu.memory_space<hbm>>) dst(%arg12 : memref<512xf32, #tpu.memory_space<vmem>>)
      tpu.yield
    }) : () -> ()
    "tpu.region"() ({
      %run_scoped3A = tpu.sem_alloc : memref<!tpu.dma_semaphore, #tpu.memory_space<semaphore_mem>>
      %dma_start3A = tpu.memref_slice %arg3[%mul3A_2] : memref<16384xf32, #tpu.memory_space<hbm>> -> memref<512xf32, #tpu.memory_space<hbm>>
      %dma_start3A_36 = tpu.memref_slice %arg3[%mul3A_2] : memref<16384xf32, #tpu.memory_space<hbm>> -> memref<512xf32, #tpu.memory_space<hbm>>
      tpu.enqueue_dma source(%dma_start3A_36 : memref<512xf32, #tpu.memory_space<hbm>>) target(%arg13 : memref<512xf32, #tpu.memory_space<vmem>>) target_semaphore(%run_scoped3A : memref<!tpu.dma_semaphore, #tpu.memory_space<semaphore_mem>>)
      %dma_wait3A = tpu.memref_slice %arg3[%mul3A_2] : memref<16384xf32, #tpu.memory_space<hbm>> -> memref<512xf32, #tpu.memory_space<hbm>>
      %dma_wait3A_37 = tpu.memref_slice %arg3[%mul3A_2] : memref<16384xf32, #tpu.memory_space<hbm>> -> memref<512xf32, #tpu.memory_space<hbm>>
      tpu.wait_dma2 semaphore(%run_scoped3A : memref<!tpu.dma_semaphore, #tpu.memory_space<semaphore_mem>>) src(%dma_wait3A_37 : memref<512xf32, #tpu.memory_space<hbm>>) dst(%arg13 : memref<512xf32, #tpu.memory_space<vmem>>)
      tpu.yield
    }) : () -> ()
    "tpu.region"() ({
      %run_scoped3A = tpu.sem_alloc : memref<!tpu.dma_semaphore, #tpu.memory_space<semaphore_mem>>
      %dma_start3A = tpu.memref_slice %arg4[%mul3A_2] : memref<16384xf32, #tpu.memory_space<hbm>> -> memref<512xf32, #tpu.memory_space<hbm>>
      %dma_start3A_36 = tpu.memref_slice %arg4[%mul3A_2] : memref<16384xf32, #tpu.memory_space<hbm>> -> memref<512xf32, #tpu.memory_space<hbm>>
      tpu.enqueue_dma source(%dma_start3A_36 : memref<512xf32, #tpu.memory_space<hbm>>) target(%arg14 : memref<512xf32, #tpu.memory_space<vmem>>) target_semaphore(%run_scoped3A : memref<!tpu.dma_semaphore, #tpu.memory_space<semaphore_mem>>)
      %dma_wait3A = tpu.memref_slice %arg4[%mul3A_2] : memref<16384xf32, #tpu.memory_space<hbm>> -> memref<512xf32, #tpu.memory_space<hbm>>
      %dma_wait3A_37 = tpu.memref_slice %arg4[%mul3A_2] : memref<16384xf32, #tpu.memory_space<hbm>> -> memref<512xf32, #tpu.memory_space<hbm>>
      tpu.wait_dma2 semaphore(%run_scoped3A : memref<!tpu.dma_semaphore, #tpu.memory_space<semaphore_mem>>) src(%dma_wait3A_37 : memref<512xf32, #tpu.memory_space<hbm>>) dst(%arg14 : memref<512xf32, #tpu.memory_space<vmem>>)
      tpu.yield
    }) : () -> ()
    "tpu.region"() ({
      %run_scoped3A = tpu.sem_alloc : memref<!tpu.dma_semaphore, #tpu.memory_space<semaphore_mem>>
      %dma_start3A = tpu.memref_slice %arg5[%mul3A_2] : memref<16384xf32, #tpu.memory_space<hbm>> -> memref<512xf32, #tpu.memory_space<hbm>>
      %dma_start3A_36 = tpu.memref_slice %arg5[%mul3A_2] : memref<16384xf32, #tpu.memory_space<hbm>> -> memref<512xf32, #tpu.memory_space<hbm>>
      tpu.enqueue_dma source(%dma_start3A_36 : memref<512xf32, #tpu.memory_space<hbm>>) target(%arg15 : memref<512xf32, #tpu.memory_space<vmem>>) target_semaphore(%run_scoped3A : memref<!tpu.dma_semaphore, #tpu.memory_space<semaphore_mem>>)
      %dma_wait3A = tpu.memref_slice %arg5[%mul3A_2] : memref<16384xf32, #tpu.memory_space<hbm>> -> memref<512xf32, #tpu.memory_space<hbm>>
      %dma_wait3A_37 = tpu.memref_slice %arg5[%mul3A_2] : memref<16384xf32, #tpu.memory_space<hbm>> -> memref<512xf32, #tpu.memory_space<hbm>>
      tpu.wait_dma2 semaphore(%run_scoped3A : memref<!tpu.dma_semaphore, #tpu.memory_space<semaphore_mem>>) src(%dma_wait3A_37 : memref<512xf32, #tpu.memory_space<hbm>>) dst(%arg15 : memref<512xf32, #tpu.memory_space<vmem>>)
      tpu.yield
    }) : () -> ()
    "tpu.region"() ({
      %run_scoped3A = tpu.sem_alloc : memref<!tpu.dma_semaphore, #tpu.memory_space<semaphore_mem>>
      %dma_start3A = tpu.memref_slice %arg6[%mul3A_20] : memref<4096xf32, #tpu.memory_space<hbm>> -> memref<1024xf32, #tpu.memory_space<hbm>>
      %dma_start3A_36 = tpu.memref_slice %arg6[%mul3A_20] : memref<4096xf32, #tpu.memory_space<hbm>> -> memref<1024xf32, #tpu.memory_space<hbm>>
      tpu.enqueue_dma source(%dma_start3A_36 : memref<1024xf32, #tpu.memory_space<hbm>>) target(%arg16 : memref<1024xf32, #tpu.memory_space<vmem>>) target_semaphore(%run_scoped3A : memref<!tpu.dma_semaphore, #tpu.memory_space<semaphore_mem>>)
      %dma_wait3A = tpu.memref_slice %arg6[%mul3A_20] : memref<4096xf32, #tpu.memory_space<hbm>> -> memref<1024xf32, #tpu.memory_space<hbm>>
      %dma_wait3A_37 = tpu.memref_slice %arg6[%mul3A_20] : memref<4096xf32, #tpu.memory_space<hbm>> -> memref<1024xf32, #tpu.memory_space<hbm>>
      tpu.wait_dma2 semaphore(%run_scoped3A : memref<!tpu.dma_semaphore, #tpu.memory_space<semaphore_mem>>) src(%dma_wait3A_37 : memref<1024xf32, #tpu.memory_space<hbm>>) dst(%arg16 : memref<1024xf32, #tpu.memory_space<vmem>>)
      tpu.yield
    }) : () -> ()
    "tpu.region"() ({
      %run_scoped3A = tpu.sem_alloc : memref<!tpu.dma_semaphore, #tpu.memory_space<semaphore_mem>>
      %dma_start3A = tpu.memref_slice %arg7[%mul3A_20] : memref<4096xf32, #tpu.memory_space<hbm>> -> memref<1024xf32, #tpu.memory_space<hbm>>
      %dma_start3A_36 = tpu.memref_slice %arg7[%mul3A_20] : memref<4096xf32, #tpu.memory_space<hbm>> -> memref<1024xf32, #tpu.memory_space<hbm>>
      tpu.enqueue_dma source(%dma_start3A_36 : memref<1024xf32, #tpu.memory_space<hbm>>) target(%arg17 : memref<1024xf32, #tpu.memory_space<vmem>>) target_semaphore(%run_scoped3A : memref<!tpu.dma_semaphore, #tpu.memory_space<semaphore_mem>>)
      %dma_wait3A = tpu.memref_slice %arg7[%mul3A_20] : memref<4096xf32, #tpu.memory_space<hbm>> -> memref<1024xf32, #tpu.memory_space<hbm>>
      %dma_wait3A_37 = tpu.memref_slice %arg7[%mul3A_20] : memref<4096xf32, #tpu.memory_space<hbm>> -> memref<1024xf32, #tpu.memory_space<hbm>>
      tpu.wait_dma2 semaphore(%run_scoped3A : memref<!tpu.dma_semaphore, #tpu.memory_space<semaphore_mem>>) src(%dma_wait3A_37 : memref<1024xf32, #tpu.memory_space<hbm>>) dst(%arg17 : memref<1024xf32, #tpu.memory_space<vmem>>)
      tpu.yield
    }) : () -> ()
    "tpu.region"() ({
      %run_scoped3A = tpu.sem_alloc : memref<!tpu.dma_semaphore, #tpu.memory_space<semaphore_mem>>
      %dma_start3A = tpu.memref_slice %arg8[%mul3A_20] : memref<4096xf32, #tpu.memory_space<hbm>> -> memref<1024xf32, #tpu.memory_space<hbm>>
      %dma_start3A_36 = tpu.memref_slice %arg8[%mul3A_20] : memref<4096xf32, #tpu.memory_space<hbm>> -> memref<1024xf32, #tpu.memory_space<hbm>>
      tpu.enqueue_dma source(%dma_start3A_36 : memref<1024xf32, #tpu.memory_space<hbm>>) target(%arg18 : memref<1024xf32, #tpu.memory_space<vmem>>) target_semaphore(%run_scoped3A : memref<!tpu.dma_semaphore, #tpu.memory_space<semaphore_mem>>)
      %dma_wait3A = tpu.memref_slice %arg8[%mul3A_20] : memref<4096xf32, #tpu.memory_space<hbm>> -> memref<1024xf32, #tpu.memory_space<hbm>>
      %dma_wait3A_37 = tpu.memref_slice %arg8[%mul3A_20] : memref<4096xf32, #tpu.memory_space<hbm>> -> memref<1024xf32, #tpu.memory_space<hbm>>
      tpu.wait_dma2 semaphore(%run_scoped3A : memref<!tpu.dma_semaphore, #tpu.memory_space<semaphore_mem>>) src(%dma_wait3A_37 : memref<1024xf32, #tpu.memory_space<hbm>>) dst(%arg18 : memref<1024xf32, #tpu.memory_space<vmem>>)
      tpu.yield
    }) : () -> ()
    "tpu.region"() ({
      %run_scoped3A = tpu.sem_alloc : memref<!tpu.dma_semaphore, #tpu.memory_space<semaphore_mem>>
      %dma_start3A = tpu.memref_slice %arg9[%mul3A_20] : memref<4096xf32, #tpu.memory_space<hbm>> -> memref<1024xf32, #tpu.memory_space<hbm>>
      %dma_start3A_36 = tpu.memref_slice %arg9[%mul3A_20] : memref<4096xf32, #tpu.memory_space<hbm>> -> memref<1024xf32, #tpu.memory_space<hbm>>
      tpu.enqueue_dma source(%dma_start3A_36 : memref<1024xf32, #tpu.memory_space<hbm>>) target(%arg19 : memref<1024xf32, #tpu.memory_space<vmem>>) target_semaphore(%run_scoped3A : memref<!tpu.dma_semaphore, #tpu.memory_space<semaphore_mem>>)
      %dma_wait3A = tpu.memref_slice %arg9[%mul3A_20] : memref<4096xf32, #tpu.memory_space<hbm>> -> memref<1024xf32, #tpu.memory_space<hbm>>
      %dma_wait3A_37 = tpu.memref_slice %arg9[%mul3A_20] : memref<4096xf32, #tpu.memory_space<hbm>> -> memref<1024xf32, #tpu.memory_space<hbm>>
      tpu.wait_dma2 semaphore(%run_scoped3A : memref<!tpu.dma_semaphore, #tpu.memory_space<semaphore_mem>>) src(%dma_wait3A_37 : memref<1024xf32, #tpu.memory_space<hbm>>) dst(%arg19 : memref<1024xf32, #tpu.memory_space<vmem>>)
      tpu.yield
    }) : () -> ()
    %broadcast_in_dim3A = arith.constant 0x7F800000 : f32
    %broadcast_in_dim3A_21 = vector.broadcast %broadcast_in_dim3A : f32 to vector<16xf32>
    %broadcast_in_dim3A_22 = arith.constant 0 : i32
    %broadcast_in_dim3A_23 = vector.broadcast %broadcast_in_dim3A_22 : i32 to vector<16xi32>
    %broadcast_in_dim3A_24 = arith.constant 4 : i32
    %broadcast_in_dim3A_25 = vector.broadcast %broadcast_in_dim3A_24 : i32 to vector<16xi32>
    %scan3A = arith.constant 0 : i32
    %scan3A_26 = arith.constant 0 : i32
    %scan3A_27 = arith.constant 32 : i32
    %scan3A_28 = arith.addi %scan3A_26, %scan3A_27 : i32
    %scan3A_29 = arith.constant 1 : i32
    %scan3A_30 = scf.for %scan3A_36 = %scan3A_26 to %scan3A_28 step %scan3A_29 iter_args(%scan3A_37 = %scan3A) -> (i32)  : i32 {
      %mul3A_38 = arith.constant 16 : i32
      %mul3A_39 = arith.muli %scan3A_36, %mul3A_38 : i32
      %get3A = arith.index_cast %mul3A_39 : i32 to index
      %get3A_40 = tpu.vector_load %arg12[%get3A] {strides = array<i32>} : memref<512xf32, #tpu.memory_space<vmem>>, vector<16xf32>,
      %get3A_41 = vector.shape_cast %get3A_40 : vector<16xf32> to vector<16xf32>
      %get3A_42 = arith.index_cast %mul3A_39 : i32 to index
      %get3A_43 = tpu.vector_load %arg13[%get3A_42] {strides = array<i32>} : memref<512xf32, #tpu.memory_space<vmem>>, vector<16xf32>,
      %get3A_44 = vector.shape_cast %get3A_43 : vector<16xf32> to vector<16xf32>
      %get3A_45 = arith.index_cast %mul3A_39 : i32 to index
      %get3A_46 = tpu.vector_load %arg14[%get3A_45] {strides = array<i32>} : memref<512xf32, #tpu.memory_space<vmem>>, vector<16xf32>,
      %get3A_47 = vector.shape_cast %get3A_46 : vector<16xf32> to vector<16xf32>
      %get3A_48 = arith.index_cast %mul3A_39 : i32 to index
      %get3A_49 = tpu.vector_load %arg15[%get3A_48] {strides = array<i32>} : memref<512xf32, #tpu.memory_space<vmem>>, vector<16xf32>,
      %get3A_50 = vector.shape_cast %get3A_49 : vector<16xf32> to vector<16xf32>
      %broadcast_in_dim3A_51 = arith.constant -4 : i32
      %broadcast_in_dim3A_52 = vector.broadcast %broadcast_in_dim3A_51 : i32 to vector<16xi32>
      %broadcast_in_dim3A_53 = arith.constant -3 : i32
      %broadcast_in_dim3A_54 = vector.broadcast %broadcast_in_dim3A_53 : i32 to vector<16xi32>
      %broadcast_in_dim3A_55 = arith.constant -2 : i32
      %broadcast_in_dim3A_56 = vector.broadcast %broadcast_in_dim3A_55 : i32 to vector<16xi32>
      %broadcast_in_dim3A_57 = arith.constant -1 : i32
      %broadcast_in_dim3A_58 = vector.broadcast %broadcast_in_dim3A_57 : i32 to vector<16xi32>
      %scan3A_59 = arith.constant 0 : i32
      %scan3A_60 = arith.constant 64 : i32
      %scan3A_61 = arith.addi %scan3A_59, %scan3A_60 : i32
      %scan3A_62 = arith.constant 1 : i32
      %scan3A_63:28 = scf.for %scan3A_193 = %scan3A_59 to %scan3A_61 step %scan3A_62 iter_args(%scan3A_194 = %broadcast_in_dim3A_21, %scan3A_195 = %broadcast_in_dim3A_21, %scan3A_196 = %broadcast_in_dim3A_21, %scan3A_197 = %broadcast_in_dim3A_23, %scan3A_198 = %broadcast_in_dim3A_23, %scan3A_199 = %broadcast_in_dim3A_23, %scan3A_200 = %broadcast_in_dim3A_52, %scan3A_201 = %broadcast_in_dim3A_21, %scan3A_202 = %broadcast_in_dim3A_21, %scan3A_203 = %broadcast_in_dim3A_21, %scan3A_204 = %broadcast_in_dim3A_23, %scan3A_205 = %broadcast_in_dim3A_23, %scan3A_206 = %broadcast_in_dim3A_23, %scan3A_207 = %broadcast_in_dim3A_54, %scan3A_208 = %broadcast_in_dim3A_21, %scan3A_209 = %broadcast_in_dim3A_21, %scan3A_210 = %broadcast_in_dim3A_21, %scan3A_211 = %broadcast_in_dim3A_23, %scan3A_212 = %broadcast_in_dim3A_23, %scan3A_213 = %broadcast_in_dim3A_23, %scan3A_214 = %broadcast_in_dim3A_56, %scan3A_215 = %broadcast_in_dim3A_21, %scan3A_216 = %broadcast_in_dim3A_21, %scan3A_217 = %broadcast_in_dim3A_21, %scan3A_218 = %broadcast_in_dim3A_23, %scan3A_219 = %broadcast_in_dim3A_23, %scan3A_220 = %broadcast_in_dim3A_23, %scan3A_221 = %broadcast_in_dim3A_58) -> (vector<16xf32>, vector<16xf32>, vector<16xf32>, vector<16xi32>, vector<16xi32>, vector<16xi32>, vector<16xi32>, vector<16xf32>, vector<16xf32>, vector<16xf32>, vector<16xi32>, vector<16xi32>, vector<16xi32>, vector<16xi32>, vector<16xf32>, vector<16xf32>, vector<16xf32>, vector<16xi32>, vector<16xi32>, vector<16xi32>, vector<16xi32>, vector<16xf32>, vector<16xf32>, vector<16xf32>, vector<16xi32>, vector<16xi32>, vector<16xi32>, vector<16xi32>)  : i32 {
        %mul3A_222 = arith.constant 16 : i32
        %mul3A_223 = arith.muli %scan3A_193, %mul3A_222 : i32
        %get3A_224 = arith.index_cast %mul3A_223 : i32 to index
        %get3A_225 = tpu.vector_load %arg16[%get3A_224] {strides = array<i32>} : memref<1024xf32, #tpu.memory_space<vmem>>, vector<16xf32>,
        %get3A_226 = vector.shape_cast %get3A_225 : vector<16xf32> to vector<16xf32>
        %get3A_227 = arith.index_cast %mul3A_223 : i32 to index
        %get3A_228 = tpu.vector_load %arg17[%get3A_227] {strides = array<i32>} : memref<1024xf32, #tpu.memory_space<vmem>>, vector<16xf32>,
        %get3A_229 = vector.shape_cast %get3A_228 : vector<16xf32> to vector<16xf32>
        %get3A_230 = arith.index_cast %mul3A_223 : i32 to index
        %get3A_231 = tpu.vector_load %arg18[%get3A_230] {strides = array<i32>} : memref<1024xf32, #tpu.memory_space<vmem>>, vector<16xf32>,
        %get3A_232 = vector.shape_cast %get3A_231 : vector<16xf32> to vector<16xf32>
        %get3A_233 = arith.index_cast %mul3A_223 : i32 to index
        %get3A_234 = tpu.vector_load %arg19[%get3A_233] {strides = array<i32>} : memref<1024xf32, #tpu.memory_space<vmem>>, vector<16xf32>,
        %get3A_235 = vector.shape_cast %get3A_234 : vector<16xf32> to vector<16xf32>
        %slice3A = vector.extract_strided_slice %get3A_226 {offsets = [0], sizes = [1], strides = [1]} : vector<16xf32> to vector<1xf32>
        %squeeze3A = vector.extract %slice3A[0] : f32 from vector<1xf32>
        %broadcast_in_dim3A_236 = vector.broadcast %squeeze3A : f32 to vector<16xf32>
        %slice3A_237 = vector.extract_strided_slice %get3A_229 {offsets = [0], sizes = [1], strides = [1]} : vector<16xf32> to vector<1xf32>
        %squeeze3A_238 = vector.extract %slice3A_237[0] : f32 from vector<1xf32>
        %broadcast_in_dim3A_239 = vector.broadcast %squeeze3A_238 : f32 to vector<16xf32>
        %slice3A_240 = vector.extract_strided_slice %get3A_232 {offsets = [0], sizes = [1], strides = [1]} : vector<16xf32> to vector<1xf32>
        %squeeze3A_241 = vector.extract %slice3A_240[0] : f32 from vector<1xf32>
        %broadcast_in_dim3A_242 = vector.broadcast %squeeze3A_241 : f32 to vector<16xf32>
        %slice3A_243 = vector.extract_strided_slice %get3A_235 {offsets = [0], sizes = [1], strides = [1]} : vector<16xf32> to vector<1xf32>
        %squeeze3A_244 = vector.extract %slice3A_243[0] : f32 from vector<1xf32>
        %broadcast_in_dim3A_245 = vector.broadcast %squeeze3A_244 : f32 to vector<16xf32>
        %mul3A_246 = arith.mulf %get3A_41, %broadcast_in_dim3A_236 : vector<16xf32>
        %mul3A_247 = arith.mulf %get3A_44, %broadcast_in_dim3A_239 : vector<16xf32>
        %add3A_248 = arith.addf %mul3A_246, %mul3A_247 : vector<16xf32>
        %mul3A_249 = arith.mulf %get3A_47, %broadcast_in_dim3A_242 : vector<16xf32>
        %add3A_250 = arith.addf %add3A_248, %mul3A_249 : vector<16xf32>
        %add3A_251 = arith.addf %add3A_250, %get3A_50 : vector<16xf32>
        %add3A_252 = arith.addf %add3A_251, %broadcast_in_dim3A_245 : vector<16xf32>
        %add3A_253 = arith.addi %scan3A_200, %broadcast_in_dim3A_25 : vector<16xi32>
        %lt3A_254 = arith.cmpf olt, %add3A_252, %scan3A_194 : vector<16xf32>
        %lt3A_255 = arith.cmpf olt, %add3A_252, %scan3A_195 : vector<16xf32>
        %lt3A_256 = arith.cmpf olt, %add3A_252, %scan3A_196 : vector<16xf32>
        %select_n3A_257 = arith.select %lt3A_255, %scan3A_195, %add3A_252 : vector<16xi1>, vector<16xf32>
        %select_n3A_258 = arith.select %lt3A_256, %select_n3A_257, %scan3A_196 : vector<16xi1>, vector<16xf32>
        %select_n3A_259 = arith.select %lt3A_255, %scan3A_198, %add3A_253 : vector<16xi1>, vector<16xi32>
        %select_n3A_260 = arith.select %lt3A_256, %select_n3A_259, %scan3A_199 : vector<16xi1>, vector<16xi32>
        %select_n3A_261 = arith.select %lt3A_254, %scan3A_194, %add3A_252 : vector<16xi1>, vector<16xf32>
        %select_n3A_262 = arith.select %lt3A_255, %select_n3A_261, %scan3A_195 : vector<16xi1>, vector<16xf32>
        %select_n3A_263 = arith.select %lt3A_254, %scan3A_197, %add3A_253 : vector<16xi1>, vector<16xi32>
        %select_n3A_264 = arith.select %lt3A_255, %select_n3A_263, %scan3A_198 : vector<16xi1>, vector<16xi32>
        %select_n3A_265 = arith.select %lt3A_254, %add3A_252, %scan3A_194 : vector<16xi1>, vector<16xf32>
        %select_n3A_266 = arith.select %lt3A_254, %add3A_253, %scan3A_197 : vector<16xi1>, vector<16xi32>
        %slice3A_267 = vector.extract_strided_slice %get3A_226 {offsets = [1], sizes = [1], strides = [1]} : vector<16xf32> to vector<1xf32>
        %squeeze3A_268 = vector.extract %slice3A_267[0] : f32 from vector<1xf32>
        %broadcast_in_dim3A_269 = vector.broadcast %squeeze3A_268 : f32 to vector<16xf32>
        %slice3A_270 = vector.extract_strided_slice %get3A_229 {offsets = [1], sizes = [1], strides = [1]} : vector<16xf32> to vector<1xf32>
        %squeeze3A_271 = vector.extract %slice3A_270[0] : f32 from vector<1xf32>
        %broadcast_in_dim3A_272 = vector.broadcast %squeeze3A_271 : f32 to vector<16xf32>
        %slice3A_273 = vector.extract_strided_slice %get3A_232 {offsets = [1], sizes = [1], strides = [1]} : vector<16xf32> to vector<1xf32>
        %squeeze3A_274 = vector.extract %slice3A_273[0] : f32 from vector<1xf32>
        %broadcast_in_dim3A_275 = vector.broadcast %squeeze3A_274 : f32 to vector<16xf32>
        %slice3A_276 = vector.extract_strided_slice %get3A_235 {offsets = [1], sizes = [1], strides = [1]} : vector<16xf32> to vector<1xf32>
        %squeeze3A_277 = vector.extract %slice3A_276[0] : f32 from vector<1xf32>
        %broadcast_in_dim3A_278 = vector.broadcast %squeeze3A_277 : f32 to vector<16xf32>
        %mul3A_279 = arith.mulf %get3A_41, %broadcast_in_dim3A_269 : vector<16xf32>
        %mul3A_280 = arith.mulf %get3A_44, %broadcast_in_dim3A_272 : vector<16xf32>
        %add3A_281 = arith.addf %mul3A_279, %mul3A_280 : vector<16xf32>
        %mul3A_282 = arith.mulf %get3A_47, %broadcast_in_dim3A_275 : vector<16xf32>
        %add3A_283 = arith.addf %add3A_281, %mul3A_282 : vector<16xf32>
        %add3A_284 = arith.addf %add3A_283, %get3A_50 : vector<16xf32>
        %add3A_285 = arith.addf %add3A_284, %broadcast_in_dim3A_278 : vector<16xf32>
        %add3A_286 = arith.addi %scan3A_207, %broadcast_in_dim3A_25 : vector<16xi32>
        %lt3A_287 = arith.cmpf olt, %add3A_285, %scan3A_201 : vector<16xf32>
        %lt3A_288 = arith.cmpf olt, %add3A_285, %scan3A_202 : vector<16xf32>
        %lt3A_289 = arith.cmpf olt, %add3A_285, %scan3A_203 : vector<16xf32>
        %select_n3A_290 = arith.select %lt3A_288, %scan3A_202, %add3A_285 : vector<16xi1>, vector<16xf32>
        %select_n3A_291 = arith.select %lt3A_289, %select_n3A_290, %scan3A_203 : vector<16xi1>, vector<16xf32>
        %select_n3A_292 = arith.select %lt3A_288, %scan3A_205, %add3A_286 : vector<16xi1>, vector<16xi32>
        %select_n3A_293 = arith.select %lt3A_289, %select_n3A_292, %scan3A_206 : vector<16xi1>, vector<16xi32>
        %select_n3A_294 = arith.select %lt3A_287, %scan3A_201, %add3A_285 : vector<16xi1>, vector<16xf32>
        %select_n3A_295 = arith.select %lt3A_288, %select_n3A_294, %scan3A_202 : vector<16xi1>, vector<16xf32>
        %select_n3A_296 = arith.select %lt3A_287, %scan3A_204, %add3A_286 : vector<16xi1>, vector<16xi32>
        %select_n3A_297 = arith.select %lt3A_288, %select_n3A_296, %scan3A_205 : vector<16xi1>, vector<16xi32>
        %select_n3A_298 = arith.select %lt3A_287, %add3A_285, %scan3A_201 : vector<16xi1>, vector<16xf32>
        %select_n3A_299 = arith.select %lt3A_287, %add3A_286, %scan3A_204 : vector<16xi1>, vector<16xi32>
        %slice3A_300 = vector.extract_strided_slice %get3A_226 {offsets = [2], sizes = [1], strides = [1]} : vector<16xf32> to vector<1xf32>
        %squeeze3A_301 = vector.extract %slice3A_300[0] : f32 from vector<1xf32>
        %broadcast_in_dim3A_302 = vector.broadcast %squeeze3A_301 : f32 to vector<16xf32>
        %slice3A_303 = vector.extract_strided_slice %get3A_229 {offsets = [2], sizes = [1], strides = [1]} : vector<16xf32> to vector<1xf32>
        %squeeze3A_304 = vector.extract %slice3A_303[0] : f32 from vector<1xf32>
        %broadcast_in_dim3A_305 = vector.broadcast %squeeze3A_304 : f32 to vector<16xf32>
        %slice3A_306 = vector.extract_strided_slice %get3A_232 {offsets = [2], sizes = [1], strides = [1]} : vector<16xf32> to vector<1xf32>
        %squeeze3A_307 = vector.extract %slice3A_306[0] : f32 from vector<1xf32>
        %broadcast_in_dim3A_308 = vector.broadcast %squeeze3A_307 : f32 to vector<16xf32>
        %slice3A_309 = vector.extract_strided_slice %get3A_235 {offsets = [2], sizes = [1], strides = [1]} : vector<16xf32> to vector<1xf32>
        %squeeze3A_310 = vector.extract %slice3A_309[0] : f32 from vector<1xf32>
        %broadcast_in_dim3A_311 = vector.broadcast %squeeze3A_310 : f32 to vector<16xf32>
        %mul3A_312 = arith.mulf %get3A_41, %broadcast_in_dim3A_302 : vector<16xf32>
        %mul3A_313 = arith.mulf %get3A_44, %broadcast_in_dim3A_305 : vector<16xf32>
        %add3A_314 = arith.addf %mul3A_312, %mul3A_313 : vector<16xf32>
        %mul3A_315 = arith.mulf %get3A_47, %broadcast_in_dim3A_308 : vector<16xf32>
        %add3A_316 = arith.addf %add3A_314, %mul3A_315 : vector<16xf32>
        %add3A_317 = arith.addf %add3A_316, %get3A_50 : vector<16xf32>
        %add3A_318 = arith.addf %add3A_317, %broadcast_in_dim3A_311 : vector<16xf32>
        %add3A_319 = arith.addi %scan3A_214, %broadcast_in_dim3A_25 : vector<16xi32>
        %lt3A_320 = arith.cmpf olt, %add3A_318, %scan3A_208 : vector<16xf32>
        %lt3A_321 = arith.cmpf olt, %add3A_318, %scan3A_209 : vector<16xf32>
        %lt3A_322 = arith.cmpf olt, %add3A_318, %scan3A_210 : vector<16xf32>
        %select_n3A_323 = arith.select %lt3A_321, %scan3A_209, %add3A_318 : vector<16xi1>, vector<16xf32>
        %select_n3A_324 = arith.select %lt3A_322, %select_n3A_323, %scan3A_210 : vector<16xi1>, vector<16xf32>
        %select_n3A_325 = arith.select %lt3A_321, %scan3A_212, %add3A_319 : vector<16xi1>, vector<16xi32>
        %select_n3A_326 = arith.select %lt3A_322, %select_n3A_325, %scan3A_213 : vector<16xi1>, vector<16xi32>
        %select_n3A_327 = arith.select %lt3A_320, %scan3A_208, %add3A_318 : vector<16xi1>, vector<16xf32>
        %select_n3A_328 = arith.select %lt3A_321, %select_n3A_327, %scan3A_209 : vector<16xi1>, vector<16xf32>
        %select_n3A_329 = arith.select %lt3A_320, %scan3A_211, %add3A_319 : vector<16xi1>, vector<16xi32>
        %select_n3A_330 = arith.select %lt3A_321, %select_n3A_329, %scan3A_212 : vector<16xi1>, vector<16xi32>
        %select_n3A_331 = arith.select %lt3A_320, %add3A_318, %scan3A_208 : vector<16xi1>, vector<16xf32>
        %select_n3A_332 = arith.select %lt3A_320, %add3A_319, %scan3A_211 : vector<16xi1>, vector<16xi32>
        %slice3A_333 = vector.extract_strided_slice %get3A_226 {offsets = [3], sizes = [1], strides = [1]} : vector<16xf32> to vector<1xf32>
        %squeeze3A_334 = vector.extract %slice3A_333[0] : f32 from vector<1xf32>
        %broadcast_in_dim3A_335 = vector.broadcast %squeeze3A_334 : f32 to vector<16xf32>
        %slice3A_336 = vector.extract_strided_slice %get3A_229 {offsets = [3], sizes = [1], strides = [1]} : vector<16xf32> to vector<1xf32>
        %squeeze3A_337 = vector.extract %slice3A_336[0] : f32 from vector<1xf32>
        %broadcast_in_dim3A_338 = vector.broadcast %squeeze3A_337 : f32 to vector<16xf32>
        %slice3A_339 = vector.extract_strided_slice %get3A_232 {offsets = [3], sizes = [1], strides = [1]} : vector<16xf32> to vector<1xf32>
        %squeeze3A_340 = vector.extract %slice3A_339[0] : f32 from vector<1xf32>
        %broadcast_in_dim3A_341 = vector.broadcast %squeeze3A_340 : f32 to vector<16xf32>
        %slice3A_342 = vector.extract_strided_slice %get3A_235 {offsets = [3], sizes = [1], strides = [1]} : vector<16xf32> to vector<1xf32>
        %squeeze3A_343 = vector.extract %slice3A_342[0] : f32 from vector<1xf32>
        %broadcast_in_dim3A_344 = vector.broadcast %squeeze3A_343 : f32 to vector<16xf32>
        %mul3A_345 = arith.mulf %get3A_41, %broadcast_in_dim3A_335 : vector<16xf32>
        %mul3A_346 = arith.mulf %get3A_44, %broadcast_in_dim3A_338 : vector<16xf32>
        %add3A_347 = arith.addf %mul3A_345, %mul3A_346 : vector<16xf32>
        %mul3A_348 = arith.mulf %get3A_47, %broadcast_in_dim3A_341 : vector<16xf32>
        %add3A_349 = arith.addf %add3A_347, %mul3A_348 : vector<16xf32>
        %add3A_350 = arith.addf %add3A_349, %get3A_50 : vector<16xf32>
        %add3A_351 = arith.addf %add3A_350, %broadcast_in_dim3A_344 : vector<16xf32>
        %add3A_352 = arith.addi %scan3A_221, %broadcast_in_dim3A_25 : vector<16xi32>
        %lt3A_353 = arith.cmpf olt, %add3A_351, %scan3A_215 : vector<16xf32>
        %lt3A_354 = arith.cmpf olt, %add3A_351, %scan3A_216 : vector<16xf32>
        %lt3A_355 = arith.cmpf olt, %add3A_351, %scan3A_217 : vector<16xf32>
        %select_n3A_356 = arith.select %lt3A_354, %scan3A_216, %add3A_351 : vector<16xi1>, vector<16xf32>
        %select_n3A_357 = arith.select %lt3A_355, %select_n3A_356, %scan3A_217 : vector<16xi1>, vector<16xf32>
        %select_n3A_358 = arith.select %lt3A_354, %scan3A_219, %add3A_352 : vector<16xi1>, vector<16xi32>
        %select_n3A_359 = arith.select %lt3A_355, %select_n3A_358, %scan3A_220 : vector<16xi1>, vector<16xi32>
        %select_n3A_360 = arith.select %lt3A_353, %scan3A_215, %add3A_351 : vector<16xi1>, vector<16xf32>
        %select_n3A_361 = arith.select %lt3A_354, %select_n3A_360, %scan3A_216 : vector<16xi1>, vector<16xf32>
        %select_n3A_362 = arith.select %lt3A_353, %scan3A_218, %add3A_352 : vector<16xi1>, vector<16xi32>
        %select_n3A_363 = arith.select %lt3A_354, %select_n3A_362, %scan3A_219 : vector<16xi1>, vector<16xi32>
        %select_n3A_364 = arith.select %lt3A_353, %add3A_351, %scan3A_215 : vector<16xi1>, vector<16xf32>
        %select_n3A_365 = arith.select %lt3A_353, %add3A_352, %scan3A_218 : vector<16xi1>, vector<16xi32>
        %slice3A_366 = vector.extract_strided_slice %get3A_226 {offsets = [4], sizes = [1], strides = [1]} : vector<16xf32> to vector<1xf32>
        %squeeze3A_367 = vector.extract %slice3A_366[0] : f32 from vector<1xf32>
        %broadcast_in_dim3A_368 = vector.broadcast %squeeze3A_367 : f32 to vector<16xf32>
        %slice3A_369 = vector.extract_strided_slice %get3A_229 {offsets = [4], sizes = [1], strides = [1]} : vector<16xf32> to vector<1xf32>
        %squeeze3A_370 = vector.extract %slice3A_369[0] : f32 from vector<1xf32>
        %broadcast_in_dim3A_371 = vector.broadcast %squeeze3A_370 : f32 to vector<16xf32>
        %slice3A_372 = vector.extract_strided_slice %get3A_232 {offsets = [4], sizes = [1], strides = [1]} : vector<16xf32> to vector<1xf32>
        %squeeze3A_373 = vector.extract %slice3A_372[0] : f32 from vector<1xf32>
        %broadcast_in_dim3A_374 = vector.broadcast %squeeze3A_373 : f32 to vector<16xf32>
        %slice3A_375 = vector.extract_strided_slice %get3A_235 {offsets = [4], sizes = [1], strides = [1]} : vector<16xf32> to vector<1xf32>
        %squeeze3A_376 = vector.extract %slice3A_375[0] : f32 from vector<1xf32>
        %broadcast_in_dim3A_377 = vector.broadcast %squeeze3A_376 : f32 to vector<16xf32>
        %mul3A_378 = arith.mulf %get3A_41, %broadcast_in_dim3A_368 : vector<16xf32>
        %mul3A_379 = arith.mulf %get3A_44, %broadcast_in_dim3A_371 : vector<16xf32>
        %add3A_380 = arith.addf %mul3A_378, %mul3A_379 : vector<16xf32>
        %mul3A_381 = arith.mulf %get3A_47, %broadcast_in_dim3A_374 : vector<16xf32>
        %add3A_382 = arith.addf %add3A_380, %mul3A_381 : vector<16xf32>
        %add3A_383 = arith.addf %add3A_382, %get3A_50 : vector<16xf32>
        %add3A_384 = arith.addf %add3A_383, %broadcast_in_dim3A_377 : vector<16xf32>
        %add3A_385 = arith.addi %add3A_253, %broadcast_in_dim3A_25 : vector<16xi32>
        %lt3A_386 = arith.cmpf olt, %add3A_384, %select_n3A_265 : vector<16xf32>
        %lt3A_387 = arith.cmpf olt, %add3A_384, %select_n3A_262 : vector<16xf32>
        %lt3A_388 = arith.cmpf olt, %add3A_384, %select_n3A_258 : vector<16xf32>
        %select_n3A_389 = arith.select %lt3A_387, %select_n3A_262, %add3A_384 : vector<16xi1>, vector<16xf32>
        %select_n3A_390 = arith.select %lt3A_388, %select_n3A_389, %select_n3A_258 : vector<16xi1>, vector<16xf32>
        %select_n3A_391 = arith.select %lt3A_387, %select_n3A_264, %add3A_385 : vector<16xi1>, vector<16xi32>
        %select_n3A_392 = arith.select %lt3A_388, %select_n3A_391, %select_n3A_260 : vector<16xi1>, vector<16xi32>
        %select_n3A_393 = arith.select %lt3A_386, %select_n3A_265, %add3A_384 : vector<16xi1>, vector<16xf32>
        %select_n3A_394 = arith.select %lt3A_387, %select_n3A_393, %select_n3A_262 : vector<16xi1>, vector<16xf32>
        %select_n3A_395 = arith.select %lt3A_386, %select_n3A_266, %add3A_385 : vector<16xi1>, vector<16xi32>
        %select_n3A_396 = arith.select %lt3A_387, %select_n3A_395, %select_n3A_264 : vector<16xi1>, vector<16xi32>
        %select_n3A_397 = arith.select %lt3A_386, %add3A_384, %select_n3A_265 : vector<16xi1>, vector<16xf32>
        %select_n3A_398 = arith.select %lt3A_386, %add3A_385, %select_n3A_266 : vector<16xi1>, vector<16xi32>
        %slice3A_399 = vector.extract_strided_slice %get3A_226 {offsets = [5], sizes = [1], strides = [1]} : vector<16xf32> to vector<1xf32>
        %squeeze3A_400 = vector.extract %slice3A_399[0] : f32 from vector<1xf32>
        %broadcast_in_dim3A_401 = vector.broadcast %squeeze3A_400 : f32 to vector<16xf32>
        %slice3A_402 = vector.extract_strided_slice %get3A_229 {offsets = [5], sizes = [1], strides = [1]} : vector<16xf32> to vector<1xf32>
        %squeeze3A_403 = vector.extract %slice3A_402[0] : f32 from vector<1xf32>
        %broadcast_in_dim3A_404 = vector.broadcast %squeeze3A_403 : f32 to vector<16xf32>
        %slice3A_405 = vector.extract_strided_slice %get3A_232 {offsets = [5], sizes = [1], strides = [1]} : vector<16xf32> to vector<1xf32>
        %squeeze3A_406 = vector.extract %slice3A_405[0] : f32 from vector<1xf32>
        %broadcast_in_dim3A_407 = vector.broadcast %squeeze3A_406 : f32 to vector<16xf32>
        %slice3A_408 = vector.extract_strided_slice %get3A_235 {offsets = [5], sizes = [1], strides = [1]} : vector<16xf32> to vector<1xf32>
        %squeeze3A_409 = vector.extract %slice3A_408[0] : f32 from vector<1xf32>
        %broadcast_in_dim3A_410 = vector.broadcast %squeeze3A_409 : f32 to vector<16xf32>
        %mul3A_411 = arith.mulf %get3A_41, %broadcast_in_dim3A_401 : vector<16xf32>
        %mul3A_412 = arith.mulf %get3A_44, %broadcast_in_dim3A_404 : vector<16xf32>
        %add3A_413 = arith.addf %mul3A_411, %mul3A_412 : vector<16xf32>
        %mul3A_414 = arith.mulf %get3A_47, %broadcast_in_dim3A_407 : vector<16xf32>
        %add3A_415 = arith.addf %add3A_413, %mul3A_414 : vector<16xf32>
        %add3A_416 = arith.addf %add3A_415, %get3A_50 : vector<16xf32>
        %add3A_417 = arith.addf %add3A_416, %broadcast_in_dim3A_410 : vector<16xf32>
        %add3A_418 = arith.addi %add3A_286, %broadcast_in_dim3A_25 : vector<16xi32>
        %lt3A_419 = arith.cmpf olt, %add3A_417, %select_n3A_298 : vector<16xf32>
        %lt3A_420 = arith.cmpf olt, %add3A_417, %select_n3A_295 : vector<16xf32>
        %lt3A_421 = arith.cmpf olt, %add3A_417, %select_n3A_291 : vector<16xf32>
        %select_n3A_422 = arith.select %lt3A_420, %select_n3A_295, %add3A_417 : vector<16xi1>, vector<16xf32>
        %select_n3A_423 = arith.select %lt3A_421, %select_n3A_422, %select_n3A_291 : vector<16xi1>, vector<16xf32>
        %select_n3A_424 = arith.select %lt3A_420, %select_n3A_297, %add3A_418 : vector<16xi1>, vector<16xi32>
        %select_n3A_425 = arith.select %lt3A_421, %select_n3A_424, %select_n3A_293 : vector<16xi1>, vector<16xi32>
        %select_n3A_426 = arith.select %lt3A_419, %select_n3A_298, %add3A_417 : vector<16xi1>, vector<16xf32>
        %select_n3A_427 = arith.select %lt3A_420, %select_n3A_426, %select_n3A_295 : vector<16xi1>, vector<16xf32>
        %select_n3A_428 = arith.select %lt3A_419, %select_n3A_299, %add3A_418 : vector<16xi1>, vector<16xi32>
        %select_n3A_429 = arith.select %lt3A_420, %select_n3A_428, %select_n3A_297 : vector<16xi1>, vector<16xi32>
        %select_n3A_430 = arith.select %lt3A_419, %add3A_417, %select_n3A_298 : vector<16xi1>, vector<16xf32>
        %select_n3A_431 = arith.select %lt3A_419, %add3A_418, %select_n3A_299 : vector<16xi1>, vector<16xi32>
        %slice3A_432 = vector.extract_strided_slice %get3A_226 {offsets = [6], sizes = [1], strides = [1]} : vector<16xf32> to vector<1xf32>
        %squeeze3A_433 = vector.extract %slice3A_432[0] : f32 from vector<1xf32>
        %broadcast_in_dim3A_434 = vector.broadcast %squeeze3A_433 : f32 to vector<16xf32>
        %slice3A_435 = vector.extract_strided_slice %get3A_229 {offsets = [6], sizes = [1], strides = [1]} : vector<16xf32> to vector<1xf32>
        %squeeze3A_436 = vector.extract %slice3A_435[0] : f32 from vector<1xf32>
        %broadcast_in_dim3A_437 = vector.broadcast %squeeze3A_436 : f32 to vector<16xf32>
        %slice3A_438 = vector.extract_strided_slice %get3A_232 {offsets = [6], sizes = [1], strides = [1]} : vector<16xf32> to vector<1xf32>
        %squeeze3A_439 = vector.extract %slice3A_438[0] : f32 from vector<1xf32>
        %broadcast_in_dim3A_440 = vector.broadcast %squeeze3A_439 : f32 to vector<16xf32>
        %slice3A_441 = vector.extract_strided_slice %get3A_235 {offsets = [6], sizes = [1], strides = [1]} : vector<16xf32> to vector<1xf32>
        %squeeze3A_442 = vector.extract %slice3A_441[0] : f32 from vector<1xf32>
        %broadcast_in_dim3A_443 = vector.broadcast %squeeze3A_442 : f32 to vector<16xf32>
        %mul3A_444 = arith.mulf %get3A_41, %broadcast_in_dim3A_434 : vector<16xf32>
        %mul3A_445 = arith.mulf %get3A_44, %broadcast_in_dim3A_437 : vector<16xf32>
        %add3A_446 = arith.addf %mul3A_444, %mul3A_445 : vector<16xf32>
        %mul3A_447 = arith.mulf %get3A_47, %broadcast_in_dim3A_440 : vector<16xf32>
        %add3A_448 = arith.addf %add3A_446, %mul3A_447 : vector<16xf32>
        %add3A_449 = arith.addf %add3A_448, %get3A_50 : vector<16xf32>
        %add3A_450 = arith.addf %add3A_449, %broadcast_in_dim3A_443 : vector<16xf32>
        %add3A_451 = arith.addi %add3A_319, %broadcast_in_dim3A_25 : vector<16xi32>
        %lt3A_452 = arith.cmpf olt, %add3A_450, %select_n3A_331 : vector<16xf32>
        %lt3A_453 = arith.cmpf olt, %add3A_450, %select_n3A_328 : vector<16xf32>
        %lt3A_454 = arith.cmpf olt, %add3A_450, %select_n3A_324 : vector<16xf32>
        %select_n3A_455 = arith.select %lt3A_453, %select_n3A_328, %add3A_450 : vector<16xi1>, vector<16xf32>
        %select_n3A_456 = arith.select %lt3A_454, %select_n3A_455, %select_n3A_324 : vector<16xi1>, vector<16xf32>
        %select_n3A_457 = arith.select %lt3A_453, %select_n3A_330, %add3A_451 : vector<16xi1>, vector<16xi32>
        %select_n3A_458 = arith.select %lt3A_454, %select_n3A_457, %select_n3A_326 : vector<16xi1>, vector<16xi32>
        %select_n3A_459 = arith.select %lt3A_452, %select_n3A_331, %add3A_450 : vector<16xi1>, vector<16xf32>
        %select_n3A_460 = arith.select %lt3A_453, %select_n3A_459, %select_n3A_328 : vector<16xi1>, vector<16xf32>
        %select_n3A_461 = arith.select %lt3A_452, %select_n3A_332, %add3A_451 : vector<16xi1>, vector<16xi32>
        %select_n3A_462 = arith.select %lt3A_453, %select_n3A_461, %select_n3A_330 : vector<16xi1>, vector<16xi32>
        %select_n3A_463 = arith.select %lt3A_452, %add3A_450, %select_n3A_331 : vector<16xi1>, vector<16xf32>
        %select_n3A_464 = arith.select %lt3A_452, %add3A_451, %select_n3A_332 : vector<16xi1>, vector<16xi32>
        %slice3A_465 = vector.extract_strided_slice %get3A_226 {offsets = [7], sizes = [1], strides = [1]} : vector<16xf32> to vector<1xf32>
        %squeeze3A_466 = vector.extract %slice3A_465[0] : f32 from vector<1xf32>
        %broadcast_in_dim3A_467 = vector.broadcast %squeeze3A_466 : f32 to vector<16xf32>
        %slice3A_468 = vector.extract_strided_slice %get3A_229 {offsets = [7], sizes = [1], strides = [1]} : vector<16xf32> to vector<1xf32>
        %squeeze3A_469 = vector.extract %slice3A_468[0] : f32 from vector<1xf32>
        %broadcast_in_dim3A_470 = vector.broadcast %squeeze3A_469 : f32 to vector<16xf32>
        %slice3A_471 = vector.extract_strided_slice %get3A_232 {offsets = [7], sizes = [1], strides = [1]} : vector<16xf32> to vector<1xf32>
        %squeeze3A_472 = vector.extract %slice3A_471[0] : f32 from vector<1xf32>
        %broadcast_in_dim3A_473 = vector.broadcast %squeeze3A_472 : f32 to vector<16xf32>
        %slice3A_474 = vector.extract_strided_slice %get3A_235 {offsets = [7], sizes = [1], strides = [1]} : vector<16xf32> to vector<1xf32>
        %squeeze3A_475 = vector.extract %slice3A_474[0] : f32 from vector<1xf32>
        %broadcast_in_dim3A_476 = vector.broadcast %squeeze3A_475 : f32 to vector<16xf32>
        %mul3A_477 = arith.mulf %get3A_41, %broadcast_in_dim3A_467 : vector<16xf32>
        %mul3A_478 = arith.mulf %get3A_44, %broadcast_in_dim3A_470 : vector<16xf32>
        %add3A_479 = arith.addf %mul3A_477, %mul3A_478 : vector<16xf32>
        %mul3A_480 = arith.mulf %get3A_47, %broadcast_in_dim3A_473 : vector<16xf32>
        %add3A_481 = arith.addf %add3A_479, %mul3A_480 : vector<16xf32>
        %add3A_482 = arith.addf %add3A_481, %get3A_50 : vector<16xf32>
        %add3A_483 = arith.addf %add3A_482, %broadcast_in_dim3A_476 : vector<16xf32>
        %add3A_484 = arith.addi %add3A_352, %broadcast_in_dim3A_25 : vector<16xi32>
        %lt3A_485 = arith.cmpf olt, %add3A_483, %select_n3A_364 : vector<16xf32>
        %lt3A_486 = arith.cmpf olt, %add3A_483, %select_n3A_361 : vector<16xf32>
        %lt3A_487 = arith.cmpf olt, %add3A_483, %select_n3A_357 : vector<16xf32>
        %select_n3A_488 = arith.select %lt3A_486, %select_n3A_361, %add3A_483 : vector<16xi1>, vector<16xf32>
        %select_n3A_489 = arith.select %lt3A_487, %select_n3A_488, %select_n3A_357 : vector<16xi1>, vector<16xf32>
        %select_n3A_490 = arith.select %lt3A_486, %select_n3A_363, %add3A_484 : vector<16xi1>, vector<16xi32>
        %select_n3A_491 = arith.select %lt3A_487, %select_n3A_490, %select_n3A_359 : vector<16xi1>, vector<16xi32>
        %select_n3A_492 = arith.select %lt3A_485, %select_n3A_364, %add3A_483 : vector<16xi1>, vector<16xf32>
        %select_n3A_493 = arith.select %lt3A_486, %select_n3A_492, %select_n3A_361 : vector<16xi1>, vector<16xf32>
        %select_n3A_494 = arith.select %lt3A_485, %select_n3A_365, %add3A_484 : vector<16xi1>, vector<16xi32>
        %select_n3A_495 = arith.select %lt3A_486, %select_n3A_494, %select_n3A_363 : vector<16xi1>, vector<16xi32>
        %select_n3A_496 = arith.select %lt3A_485, %add3A_483, %select_n3A_364 : vector<16xi1>, vector<16xf32>
        %select_n3A_497 = arith.select %lt3A_485, %add3A_484, %select_n3A_365 : vector<16xi1>, vector<16xi32>
        %slice3A_498 = vector.extract_strided_slice %get3A_226 {offsets = [8], sizes = [1], strides = [1]} : vector<16xf32> to vector<1xf32>
        %squeeze3A_499 = vector.extract %slice3A_498[0] : f32 from vector<1xf32>
        %broadcast_in_dim3A_500 = vector.broadcast %squeeze3A_499 : f32 to vector<16xf32>
        %slice3A_501 = vector.extract_strided_slice %get3A_229 {offsets = [8], sizes = [1], strides = [1]} : vector<16xf32> to vector<1xf32>
        %squeeze3A_502 = vector.extract %slice3A_501[0] : f32 from vector<1xf32>
        %broadcast_in_dim3A_503 = vector.broadcast %squeeze3A_502 : f32 to vector<16xf32>
        %slice3A_504 = vector.extract_strided_slice %get3A_232 {offsets = [8], sizes = [1], strides = [1]} : vector<16xf32> to vector<1xf32>
        %squeeze3A_505 = vector.extract %slice3A_504[0] : f32 from vector<1xf32>
        %broadcast_in_dim3A_506 = vector.broadcast %squeeze3A_505 : f32 to vector<16xf32>
        %slice3A_507 = vector.extract_strided_slice %get3A_235 {offsets = [8], sizes = [1], strides = [1]} : vector<16xf32> to vector<1xf32>
        %squeeze3A_508 = vector.extract %slice3A_507[0] : f32 from vector<1xf32>
        %broadcast_in_dim3A_509 = vector.broadcast %squeeze3A_508 : f32 to vector<16xf32>
        %mul3A_510 = arith.mulf %get3A_41, %broadcast_in_dim3A_500 : vector<16xf32>
        %mul3A_511 = arith.mulf %get3A_44, %broadcast_in_dim3A_503 : vector<16xf32>
        %add3A_512 = arith.addf %mul3A_510, %mul3A_511 : vector<16xf32>
        %mul3A_513 = arith.mulf %get3A_47, %broadcast_in_dim3A_506 : vector<16xf32>
        %add3A_514 = arith.addf %add3A_512, %mul3A_513 : vector<16xf32>
        %add3A_515 = arith.addf %add3A_514, %get3A_50 : vector<16xf32>
        %add3A_516 = arith.addf %add3A_515, %broadcast_in_dim3A_509 : vector<16xf32>
        %add3A_517 = arith.addi %add3A_385, %broadcast_in_dim3A_25 : vector<16xi32>
        %lt3A_518 = arith.cmpf olt, %add3A_516, %select_n3A_397 : vector<16xf32>
        %lt3A_519 = arith.cmpf olt, %add3A_516, %select_n3A_394 : vector<16xf32>
        %lt3A_520 = arith.cmpf olt, %add3A_516, %select_n3A_390 : vector<16xf32>
        %select_n3A_521 = arith.select %lt3A_519, %select_n3A_394, %add3A_516 : vector<16xi1>, vector<16xf32>
        %select_n3A_522 = arith.select %lt3A_520, %select_n3A_521, %select_n3A_390 : vector<16xi1>, vector<16xf32>
        %select_n3A_523 = arith.select %lt3A_519, %select_n3A_396, %add3A_517 : vector<16xi1>, vector<16xi32>
        %select_n3A_524 = arith.select %lt3A_520, %select_n3A_523, %select_n3A_392 : vector<16xi1>, vector<16xi32>
        %select_n3A_525 = arith.select %lt3A_518, %select_n3A_397, %add3A_516 : vector<16xi1>, vector<16xf32>
        %select_n3A_526 = arith.select %lt3A_519, %select_n3A_525, %select_n3A_394 : vector<16xi1>, vector<16xf32>
        %select_n3A_527 = arith.select %lt3A_518, %select_n3A_398, %add3A_517 : vector<16xi1>, vector<16xi32>
        %select_n3A_528 = arith.select %lt3A_519, %select_n3A_527, %select_n3A_396 : vector<16xi1>, vector<16xi32>
        %select_n3A_529 = arith.select %lt3A_518, %add3A_516, %select_n3A_397 : vector<16xi1>, vector<16xf32>
        %select_n3A_530 = arith.select %lt3A_518, %add3A_517, %select_n3A_398 : vector<16xi1>, vector<16xi32>
        %slice3A_531 = vector.extract_strided_slice %get3A_226 {offsets = [9], sizes = [1], strides = [1]} : vector<16xf32> to vector<1xf32>
        %squeeze3A_532 = vector.extract %slice3A_531[0] : f32 from vector<1xf32>
        %broadcast_in_dim3A_533 = vector.broadcast %squeeze3A_532 : f32 to vector<16xf32>
        %slice3A_534 = vector.extract_strided_slice %get3A_229 {offsets = [9], sizes = [1], strides = [1]} : vector<16xf32> to vector<1xf32>
        %squeeze3A_535 = vector.extract %slice3A_534[0] : f32 from vector<1xf32>
        %broadcast_in_dim3A_536 = vector.broadcast %squeeze3A_535 : f32 to vector<16xf32>
        %slice3A_537 = vector.extract_strided_slice %get3A_232 {offsets = [9], sizes = [1], strides = [1]} : vector<16xf32> to vector<1xf32>
        %squeeze3A_538 = vector.extract %slice3A_537[0] : f32 from vector<1xf32>
        %broadcast_in_dim3A_539 = vector.broadcast %squeeze3A_538 : f32 to vector<16xf32>
        %slice3A_540 = vector.extract_strided_slice %get3A_235 {offsets = [9], sizes = [1], strides = [1]} : vector<16xf32> to vector<1xf32>
        %squeeze3A_541 = vector.extract %slice3A_540[0] : f32 from vector<1xf32>
        %broadcast_in_dim3A_542 = vector.broadcast %squeeze3A_541 : f32 to vector<16xf32>
        %mul3A_543 = arith.mulf %get3A_41, %broadcast_in_dim3A_533 : vector<16xf32>
        %mul3A_544 = arith.mulf %get3A_44, %broadcast_in_dim3A_536 : vector<16xf32>
        %add3A_545 = arith.addf %mul3A_543, %mul3A_544 : vector<16xf32>
        %mul3A_546 = arith.mulf %get3A_47, %broadcast_in_dim3A_539 : vector<16xf32>
        %add3A_547 = arith.addf %add3A_545, %mul3A_546 : vector<16xf32>
        %add3A_548 = arith.addf %add3A_547, %get3A_50 : vector<16xf32>
        %add3A_549 = arith.addf %add3A_548, %broadcast_in_dim3A_542 : vector<16xf32>
        %add3A_550 = arith.addi %add3A_418, %broadcast_in_dim3A_25 : vector<16xi32>
        %lt3A_551 = arith.cmpf olt, %add3A_549, %select_n3A_430 : vector<16xf32>
        %lt3A_552 = arith.cmpf olt, %add3A_549, %select_n3A_427 : vector<16xf32>
        %lt3A_553 = arith.cmpf olt, %add3A_549, %select_n3A_423 : vector<16xf32>
        %select_n3A_554 = arith.select %lt3A_552, %select_n3A_427, %add3A_549 : vector<16xi1>, vector<16xf32>
        %select_n3A_555 = arith.select %lt3A_553, %select_n3A_554, %select_n3A_423 : vector<16xi1>, vector<16xf32>
        %select_n3A_556 = arith.select %lt3A_552, %select_n3A_429, %add3A_550 : vector<16xi1>, vector<16xi32>
        %select_n3A_557 = arith.select %lt3A_553, %select_n3A_556, %select_n3A_425 : vector<16xi1>, vector<16xi32>
        %select_n3A_558 = arith.select %lt3A_551, %select_n3A_430, %add3A_549 : vector<16xi1>, vector<16xf32>
        %select_n3A_559 = arith.select %lt3A_552, %select_n3A_558, %select_n3A_427 : vector<16xi1>, vector<16xf32>
        %select_n3A_560 = arith.select %lt3A_551, %select_n3A_431, %add3A_550 : vector<16xi1>, vector<16xi32>
        %select_n3A_561 = arith.select %lt3A_552, %select_n3A_560, %select_n3A_429 : vector<16xi1>, vector<16xi32>
        %select_n3A_562 = arith.select %lt3A_551, %add3A_549, %select_n3A_430 : vector<16xi1>, vector<16xf32>
        %select_n3A_563 = arith.select %lt3A_551, %add3A_550, %select_n3A_431 : vector<16xi1>, vector<16xi32>
        %slice3A_564 = vector.extract_strided_slice %get3A_226 {offsets = [10], sizes = [1], strides = [1]} : vector<16xf32> to vector<1xf32>
        %squeeze3A_565 = vector.extract %slice3A_564[0] : f32 from vector<1xf32>
        %broadcast_in_dim3A_566 = vector.broadcast %squeeze3A_565 : f32 to vector<16xf32>
        %slice3A_567 = vector.extract_strided_slice %get3A_229 {offsets = [10], sizes = [1], strides = [1]} : vector<16xf32> to vector<1xf32>
        %squeeze3A_568 = vector.extract %slice3A_567[0] : f32 from vector<1xf32>
        %broadcast_in_dim3A_569 = vector.broadcast %squeeze3A_568 : f32 to vector<16xf32>
        %slice3A_570 = vector.extract_strided_slice %get3A_232 {offsets = [10], sizes = [1], strides = [1]} : vector<16xf32> to vector<1xf32>
        %squeeze3A_571 = vector.extract %slice3A_570[0] : f32 from vector<1xf32>
        %broadcast_in_dim3A_572 = vector.broadcast %squeeze3A_571 : f32 to vector<16xf32>
        %slice3A_573 = vector.extract_strided_slice %get3A_235 {offsets = [10], sizes = [1], strides = [1]} : vector<16xf32> to vector<1xf32>
        %squeeze3A_574 = vector.extract %slice3A_573[0] : f32 from vector<1xf32>
        %broadcast_in_dim3A_575 = vector.broadcast %squeeze3A_574 : f32 to vector<16xf32>
        %mul3A_576 = arith.mulf %get3A_41, %broadcast_in_dim3A_566 : vector<16xf32>
        %mul3A_577 = arith.mulf %get3A_44, %broadcast_in_dim3A_569 : vector<16xf32>
        %add3A_578 = arith.addf %mul3A_576, %mul3A_577 : vector<16xf32>
        %mul3A_579 = arith.mulf %get3A_47, %broadcast_in_dim3A_572 : vector<16xf32>
        %add3A_580 = arith.addf %add3A_578, %mul3A_579 : vector<16xf32>
        %add3A_581 = arith.addf %add3A_580, %get3A_50 : vector<16xf32>
        %add3A_582 = arith.addf %add3A_581, %broadcast_in_dim3A_575 : vector<16xf32>
        %add3A_583 = arith.addi %add3A_451, %broadcast_in_dim3A_25 : vector<16xi32>
        %lt3A_584 = arith.cmpf olt, %add3A_582, %select_n3A_463 : vector<16xf32>
        %lt3A_585 = arith.cmpf olt, %add3A_582, %select_n3A_460 : vector<16xf32>
        %lt3A_586 = arith.cmpf olt, %add3A_582, %select_n3A_456 : vector<16xf32>
        %select_n3A_587 = arith.select %lt3A_585, %select_n3A_460, %add3A_582 : vector<16xi1>, vector<16xf32>
        %select_n3A_588 = arith.select %lt3A_586, %select_n3A_587, %select_n3A_456 : vector<16xi1>, vector<16xf32>
        %select_n3A_589 = arith.select %lt3A_585, %select_n3A_462, %add3A_583 : vector<16xi1>, vector<16xi32>
        %select_n3A_590 = arith.select %lt3A_586, %select_n3A_589, %select_n3A_458 : vector<16xi1>, vector<16xi32>
        %select_n3A_591 = arith.select %lt3A_584, %select_n3A_463, %add3A_582 : vector<16xi1>, vector<16xf32>
        %select_n3A_592 = arith.select %lt3A_585, %select_n3A_591, %select_n3A_460 : vector<16xi1>, vector<16xf32>
        %select_n3A_593 = arith.select %lt3A_584, %select_n3A_464, %add3A_583 : vector<16xi1>, vector<16xi32>
        %select_n3A_594 = arith.select %lt3A_585, %select_n3A_593, %select_n3A_462 : vector<16xi1>, vector<16xi32>
        %select_n3A_595 = arith.select %lt3A_584, %add3A_582, %select_n3A_463 : vector<16xi1>, vector<16xf32>
        %select_n3A_596 = arith.select %lt3A_584, %add3A_583, %select_n3A_464 : vector<16xi1>, vector<16xi32>
        %slice3A_597 = vector.extract_strided_slice %get3A_226 {offsets = [11], sizes = [1], strides = [1]} : vector<16xf32> to vector<1xf32>
        %squeeze3A_598 = vector.extract %slice3A_597[0] : f32 from vector<1xf32>
        %broadcast_in_dim3A_599 = vector.broadcast %squeeze3A_598 : f32 to vector<16xf32>
        %slice3A_600 = vector.extract_strided_slice %get3A_229 {offsets = [11], sizes = [1], strides = [1]} : vector<16xf32> to vector<1xf32>
        %squeeze3A_601 = vector.extract %slice3A_600[0] : f32 from vector<1xf32>
        %broadcast_in_dim3A_602 = vector.broadcast %squeeze3A_601 : f32 to vector<16xf32>
        %slice3A_603 = vector.extract_strided_slice %get3A_232 {offsets = [11], sizes = [1], strides = [1]} : vector<16xf32> to vector<1xf32>
        %squeeze3A_604 = vector.extract %slice3A_603[0] : f32 from vector<1xf32>
        %broadcast_in_dim3A_605 = vector.broadcast %squeeze3A_604 : f32 to vector<16xf32>
        %slice3A_606 = vector.extract_strided_slice %get3A_235 {offsets = [11], sizes = [1], strides = [1]} : vector<16xf32> to vector<1xf32>
        %squeeze3A_607 = vector.extract %slice3A_606[0] : f32 from vector<1xf32>
        %broadcast_in_dim3A_608 = vector.broadcast %squeeze3A_607 : f32 to vector<16xf32>
        %mul3A_609 = arith.mulf %get3A_41, %broadcast_in_dim3A_599 : vector<16xf32>
        %mul3A_610 = arith.mulf %get3A_44, %broadcast_in_dim3A_602 : vector<16xf32>
        %add3A_611 = arith.addf %mul3A_609, %mul3A_610 : vector<16xf32>
        %mul3A_612 = arith.mulf %get3A_47, %broadcast_in_dim3A_605 : vector<16xf32>
        %add3A_613 = arith.addf %add3A_611, %mul3A_612 : vector<16xf32>
        %add3A_614 = arith.addf %add3A_613, %get3A_50 : vector<16xf32>
        %add3A_615 = arith.addf %add3A_614, %broadcast_in_dim3A_608 : vector<16xf32>
        %add3A_616 = arith.addi %add3A_484, %broadcast_in_dim3A_25 : vector<16xi32>
        %lt3A_617 = arith.cmpf olt, %add3A_615, %select_n3A_496 : vector<16xf32>
        %lt3A_618 = arith.cmpf olt, %add3A_615, %select_n3A_493 : vector<16xf32>
        %lt3A_619 = arith.cmpf olt, %add3A_615, %select_n3A_489 : vector<16xf32>
        %select_n3A_620 = arith.select %lt3A_618, %select_n3A_493, %add3A_615 : vector<16xi1>, vector<16xf32>
        %select_n3A_621 = arith.select %lt3A_619, %select_n3A_620, %select_n3A_489 : vector<16xi1>, vector<16xf32>
        %select_n3A_622 = arith.select %lt3A_618, %select_n3A_495, %add3A_616 : vector<16xi1>, vector<16xi32>
        %select_n3A_623 = arith.select %lt3A_619, %select_n3A_622, %select_n3A_491 : vector<16xi1>, vector<16xi32>
        %select_n3A_624 = arith.select %lt3A_617, %select_n3A_496, %add3A_615 : vector<16xi1>, vector<16xf32>
        %select_n3A_625 = arith.select %lt3A_618, %select_n3A_624, %select_n3A_493 : vector<16xi1>, vector<16xf32>
        %select_n3A_626 = arith.select %lt3A_617, %select_n3A_497, %add3A_616 : vector<16xi1>, vector<16xi32>
        %select_n3A_627 = arith.select %lt3A_618, %select_n3A_626, %select_n3A_495 : vector<16xi1>, vector<16xi32>
        %select_n3A_628 = arith.select %lt3A_617, %add3A_615, %select_n3A_496 : vector<16xi1>, vector<16xf32>
        %select_n3A_629 = arith.select %lt3A_617, %add3A_616, %select_n3A_497 : vector<16xi1>, vector<16xi32>
        %slice3A_630 = vector.extract_strided_slice %get3A_226 {offsets = [12], sizes = [1], strides = [1]} : vector<16xf32> to vector<1xf32>
        %squeeze3A_631 = vector.extract %slice3A_630[0] : f32 from vector<1xf32>
        %broadcast_in_dim3A_632 = vector.broadcast %squeeze3A_631 : f32 to vector<16xf32>
        %slice3A_633 = vector.extract_strided_slice %get3A_229 {offsets = [12], sizes = [1], strides = [1]} : vector<16xf32> to vector<1xf32>
        %squeeze3A_634 = vector.extract %slice3A_633[0] : f32 from vector<1xf32>
        %broadcast_in_dim3A_635 = vector.broadcast %squeeze3A_634 : f32 to vector<16xf32>
        %slice3A_636 = vector.extract_strided_slice %get3A_232 {offsets = [12], sizes = [1], strides = [1]} : vector<16xf32> to vector<1xf32>
        %squeeze3A_637 = vector.extract %slice3A_636[0] : f32 from vector<1xf32>
        %broadcast_in_dim3A_638 = vector.broadcast %squeeze3A_637 : f32 to vector<16xf32>
        %slice3A_639 = vector.extract_strided_slice %get3A_235 {offsets = [12], sizes = [1], strides = [1]} : vector<16xf32> to vector<1xf32>
        %squeeze3A_640 = vector.extract %slice3A_639[0] : f32 from vector<1xf32>
        %broadcast_in_dim3A_641 = vector.broadcast %squeeze3A_640 : f32 to vector<16xf32>
        %mul3A_642 = arith.mulf %get3A_41, %broadcast_in_dim3A_632 : vector<16xf32>
        %mul3A_643 = arith.mulf %get3A_44, %broadcast_in_dim3A_635 : vector<16xf32>
        %add3A_644 = arith.addf %mul3A_642, %mul3A_643 : vector<16xf32>
        %mul3A_645 = arith.mulf %get3A_47, %broadcast_in_dim3A_638 : vector<16xf32>
        %add3A_646 = arith.addf %add3A_644, %mul3A_645 : vector<16xf32>
        %add3A_647 = arith.addf %add3A_646, %get3A_50 : vector<16xf32>
        %add3A_648 = arith.addf %add3A_647, %broadcast_in_dim3A_641 : vector<16xf32>
        %add3A_649 = arith.addi %add3A_517, %broadcast_in_dim3A_25 : vector<16xi32>
        %lt3A_650 = arith.cmpf olt, %add3A_648, %select_n3A_529 : vector<16xf32>
        %lt3A_651 = arith.cmpf olt, %add3A_648, %select_n3A_526 : vector<16xf32>
        %lt3A_652 = arith.cmpf olt, %add3A_648, %select_n3A_522 : vector<16xf32>
        %select_n3A_653 = arith.select %lt3A_651, %select_n3A_526, %add3A_648 : vector<16xi1>, vector<16xf32>
        %select_n3A_654 = arith.select %lt3A_652, %select_n3A_653, %select_n3A_522 : vector<16xi1>, vector<16xf32>
        %select_n3A_655 = arith.select %lt3A_651, %select_n3A_528, %add3A_649 : vector<16xi1>, vector<16xi32>
        %select_n3A_656 = arith.select %lt3A_652, %select_n3A_655, %select_n3A_524 : vector<16xi1>, vector<16xi32>
        %select_n3A_657 = arith.select %lt3A_650, %select_n3A_529, %add3A_648 : vector<16xi1>, vector<16xf32>
        %select_n3A_658 = arith.select %lt3A_651, %select_n3A_657, %select_n3A_526 : vector<16xi1>, vector<16xf32>
        %select_n3A_659 = arith.select %lt3A_650, %select_n3A_530, %add3A_649 : vector<16xi1>, vector<16xi32>
        %select_n3A_660 = arith.select %lt3A_651, %select_n3A_659, %select_n3A_528 : vector<16xi1>, vector<16xi32>
        %select_n3A_661 = arith.select %lt3A_650, %add3A_648, %select_n3A_529 : vector<16xi1>, vector<16xf32>
        %select_n3A_662 = arith.select %lt3A_650, %add3A_649, %select_n3A_530 : vector<16xi1>, vector<16xi32>
        %slice3A_663 = vector.extract_strided_slice %get3A_226 {offsets = [13], sizes = [1], strides = [1]} : vector<16xf32> to vector<1xf32>
        %squeeze3A_664 = vector.extract %slice3A_663[0] : f32 from vector<1xf32>
        %broadcast_in_dim3A_665 = vector.broadcast %squeeze3A_664 : f32 to vector<16xf32>
        %slice3A_666 = vector.extract_strided_slice %get3A_229 {offsets = [13], sizes = [1], strides = [1]} : vector<16xf32> to vector<1xf32>
        %squeeze3A_667 = vector.extract %slice3A_666[0] : f32 from vector<1xf32>
        %broadcast_in_dim3A_668 = vector.broadcast %squeeze3A_667 : f32 to vector<16xf32>
        %slice3A_669 = vector.extract_strided_slice %get3A_232 {offsets = [13], sizes = [1], strides = [1]} : vector<16xf32> to vector<1xf32>
        %squeeze3A_670 = vector.extract %slice3A_669[0] : f32 from vector<1xf32>
        %broadcast_in_dim3A_671 = vector.broadcast %squeeze3A_670 : f32 to vector<16xf32>
        %slice3A_672 = vector.extract_strided_slice %get3A_235 {offsets = [13], sizes = [1], strides = [1]} : vector<16xf32> to vector<1xf32>
        %squeeze3A_673 = vector.extract %slice3A_672[0] : f32 from vector<1xf32>
        %broadcast_in_dim3A_674 = vector.broadcast %squeeze3A_673 : f32 to vector<16xf32>
        %mul3A_675 = arith.mulf %get3A_41, %broadcast_in_dim3A_665 : vector<16xf32>
        %mul3A_676 = arith.mulf %get3A_44, %broadcast_in_dim3A_668 : vector<16xf32>
        %add3A_677 = arith.addf %mul3A_675, %mul3A_676 : vector<16xf32>
        %mul3A_678 = arith.mulf %get3A_47, %broadcast_in_dim3A_671 : vector<16xf32>
        %add3A_679 = arith.addf %add3A_677, %mul3A_678 : vector<16xf32>
        %add3A_680 = arith.addf %add3A_679, %get3A_50 : vector<16xf32>
        %add3A_681 = arith.addf %add3A_680, %broadcast_in_dim3A_674 : vector<16xf32>
        %add3A_682 = arith.addi %add3A_550, %broadcast_in_dim3A_25 : vector<16xi32>
        %lt3A_683 = arith.cmpf olt, %add3A_681, %select_n3A_562 : vector<16xf32>
        %lt3A_684 = arith.cmpf olt, %add3A_681, %select_n3A_559 : vector<16xf32>
        %lt3A_685 = arith.cmpf olt, %add3A_681, %select_n3A_555 : vector<16xf32>
        %select_n3A_686 = arith.select %lt3A_684, %select_n3A_559, %add3A_681 : vector<16xi1>, vector<16xf32>
        %select_n3A_687 = arith.select %lt3A_685, %select_n3A_686, %select_n3A_555 : vector<16xi1>, vector<16xf32>
        %select_n3A_688 = arith.select %lt3A_684, %select_n3A_561, %add3A_682 : vector<16xi1>, vector<16xi32>
        %select_n3A_689 = arith.select %lt3A_685, %select_n3A_688, %select_n3A_557 : vector<16xi1>, vector<16xi32>
        %select_n3A_690 = arith.select %lt3A_683, %select_n3A_562, %add3A_681 : vector<16xi1>, vector<16xf32>
        %select_n3A_691 = arith.select %lt3A_684, %select_n3A_690, %select_n3A_559 : vector<16xi1>, vector<16xf32>
        %select_n3A_692 = arith.select %lt3A_683, %select_n3A_563, %add3A_682 : vector<16xi1>, vector<16xi32>
        %select_n3A_693 = arith.select %lt3A_684, %select_n3A_692, %select_n3A_561 : vector<16xi1>, vector<16xi32>
        %select_n3A_694 = arith.select %lt3A_683, %add3A_681, %select_n3A_562 : vector<16xi1>, vector<16xf32>
        %select_n3A_695 = arith.select %lt3A_683, %add3A_682, %select_n3A_563 : vector<16xi1>, vector<16xi32>
        %slice3A_696 = vector.extract_strided_slice %get3A_226 {offsets = [14], sizes = [1], strides = [1]} : vector<16xf32> to vector<1xf32>
        %squeeze3A_697 = vector.extract %slice3A_696[0] : f32 from vector<1xf32>
        %broadcast_in_dim3A_698 = vector.broadcast %squeeze3A_697 : f32 to vector<16xf32>
        %slice3A_699 = vector.extract_strided_slice %get3A_229 {offsets = [14], sizes = [1], strides = [1]} : vector<16xf32> to vector<1xf32>
        %squeeze3A_700 = vector.extract %slice3A_699[0] : f32 from vector<1xf32>
        %broadcast_in_dim3A_701 = vector.broadcast %squeeze3A_700 : f32 to vector<16xf32>
        %slice3A_702 = vector.extract_strided_slice %get3A_232 {offsets = [14], sizes = [1], strides = [1]} : vector<16xf32> to vector<1xf32>
        %squeeze3A_703 = vector.extract %slice3A_702[0] : f32 from vector<1xf32>
        %broadcast_in_dim3A_704 = vector.broadcast %squeeze3A_703 : f32 to vector<16xf32>
        %slice3A_705 = vector.extract_strided_slice %get3A_235 {offsets = [14], sizes = [1], strides = [1]} : vector<16xf32> to vector<1xf32>
        %squeeze3A_706 = vector.extract %slice3A_705[0] : f32 from vector<1xf32>
        %broadcast_in_dim3A_707 = vector.broadcast %squeeze3A_706 : f32 to vector<16xf32>
        %mul3A_708 = arith.mulf %get3A_41, %broadcast_in_dim3A_698 : vector<16xf32>
        %mul3A_709 = arith.mulf %get3A_44, %broadcast_in_dim3A_701 : vector<16xf32>
        %add3A_710 = arith.addf %mul3A_708, %mul3A_709 : vector<16xf32>
        %mul3A_711 = arith.mulf %get3A_47, %broadcast_in_dim3A_704 : vector<16xf32>
        %add3A_712 = arith.addf %add3A_710, %mul3A_711 : vector<16xf32>
        %add3A_713 = arith.addf %add3A_712, %get3A_50 : vector<16xf32>
        %add3A_714 = arith.addf %add3A_713, %broadcast_in_dim3A_707 : vector<16xf32>
        %add3A_715 = arith.addi %add3A_583, %broadcast_in_dim3A_25 : vector<16xi32>
        %lt3A_716 = arith.cmpf olt, %add3A_714, %select_n3A_595 : vector<16xf32>
        %lt3A_717 = arith.cmpf olt, %add3A_714, %select_n3A_592 : vector<16xf32>
        %lt3A_718 = arith.cmpf olt, %add3A_714, %select_n3A_588 : vector<16xf32>
        %select_n3A_719 = arith.select %lt3A_717, %select_n3A_592, %add3A_714 : vector<16xi1>, vector<16xf32>
        %select_n3A_720 = arith.select %lt3A_718, %select_n3A_719, %select_n3A_588 : vector<16xi1>, vector<16xf32>
        %select_n3A_721 = arith.select %lt3A_717, %select_n3A_594, %add3A_715 : vector<16xi1>, vector<16xi32>
        %select_n3A_722 = arith.select %lt3A_718, %select_n3A_721, %select_n3A_590 : vector<16xi1>, vector<16xi32>
        %select_n3A_723 = arith.select %lt3A_716, %select_n3A_595, %add3A_714 : vector<16xi1>, vector<16xf32>
        %select_n3A_724 = arith.select %lt3A_717, %select_n3A_723, %select_n3A_592 : vector<16xi1>, vector<16xf32>
        %select_n3A_725 = arith.select %lt3A_716, %select_n3A_596, %add3A_715 : vector<16xi1>, vector<16xi32>
        %select_n3A_726 = arith.select %lt3A_717, %select_n3A_725, %select_n3A_594 : vector<16xi1>, vector<16xi32>
        %select_n3A_727 = arith.select %lt3A_716, %add3A_714, %select_n3A_595 : vector<16xi1>, vector<16xf32>
        %select_n3A_728 = arith.select %lt3A_716, %add3A_715, %select_n3A_596 : vector<16xi1>, vector<16xi32>
        %slice3A_729 = vector.extract_strided_slice %get3A_226 {offsets = [15], sizes = [1], strides = [1]} : vector<16xf32> to vector<1xf32>
        %squeeze3A_730 = vector.extract %slice3A_729[0] : f32 from vector<1xf32>
        %broadcast_in_dim3A_731 = vector.broadcast %squeeze3A_730 : f32 to vector<16xf32>
        %slice3A_732 = vector.extract_strided_slice %get3A_229 {offsets = [15], sizes = [1], strides = [1]} : vector<16xf32> to vector<1xf32>
        %squeeze3A_733 = vector.extract %slice3A_732[0] : f32 from vector<1xf32>
        %broadcast_in_dim3A_734 = vector.broadcast %squeeze3A_733 : f32 to vector<16xf32>
        %slice3A_735 = vector.extract_strided_slice %get3A_232 {offsets = [15], sizes = [1], strides = [1]} : vector<16xf32> to vector<1xf32>
        %squeeze3A_736 = vector.extract %slice3A_735[0] : f32 from vector<1xf32>
        %broadcast_in_dim3A_737 = vector.broadcast %squeeze3A_736 : f32 to vector<16xf32>
        %slice3A_738 = vector.extract_strided_slice %get3A_235 {offsets = [15], sizes = [1], strides = [1]} : vector<16xf32> to vector<1xf32>
        %squeeze3A_739 = vector.extract %slice3A_738[0] : f32 from vector<1xf32>
        %broadcast_in_dim3A_740 = vector.broadcast %squeeze3A_739 : f32 to vector<16xf32>
        %mul3A_741 = arith.mulf %get3A_41, %broadcast_in_dim3A_731 : vector<16xf32>
        %mul3A_742 = arith.mulf %get3A_44, %broadcast_in_dim3A_734 : vector<16xf32>
        %add3A_743 = arith.addf %mul3A_741, %mul3A_742 : vector<16xf32>
        %mul3A_744 = arith.mulf %get3A_47, %broadcast_in_dim3A_737 : vector<16xf32>
        %add3A_745 = arith.addf %add3A_743, %mul3A_744 : vector<16xf32>
        %add3A_746 = arith.addf %add3A_745, %get3A_50 : vector<16xf32>
        %add3A_747 = arith.addf %add3A_746, %broadcast_in_dim3A_740 : vector<16xf32>
        %add3A_748 = arith.addi %add3A_616, %broadcast_in_dim3A_25 : vector<16xi32>
        %lt3A_749 = arith.cmpf olt, %add3A_747, %select_n3A_628 : vector<16xf32>
        %lt3A_750 = arith.cmpf olt, %add3A_747, %select_n3A_625 : vector<16xf32>
        %lt3A_751 = arith.cmpf olt, %add3A_747, %select_n3A_621 : vector<16xf32>
        %select_n3A_752 = arith.select %lt3A_750, %select_n3A_625, %add3A_747 : vector<16xi1>, vector<16xf32>
        %select_n3A_753 = arith.select %lt3A_751, %select_n3A_752, %select_n3A_621 : vector<16xi1>, vector<16xf32>
        %select_n3A_754 = arith.select %lt3A_750, %select_n3A_627, %add3A_748 : vector<16xi1>, vector<16xi32>
        %select_n3A_755 = arith.select %lt3A_751, %select_n3A_754, %select_n3A_623 : vector<16xi1>, vector<16xi32>
        %select_n3A_756 = arith.select %lt3A_749, %select_n3A_628, %add3A_747 : vector<16xi1>, vector<16xf32>
        %select_n3A_757 = arith.select %lt3A_750, %select_n3A_756, %select_n3A_625 : vector<16xi1>, vector<16xf32>
        %select_n3A_758 = arith.select %lt3A_749, %select_n3A_629, %add3A_748 : vector<16xi1>, vector<16xi32>
        %select_n3A_759 = arith.select %lt3A_750, %select_n3A_758, %select_n3A_627 : vector<16xi1>, vector<16xi32>
        %select_n3A_760 = arith.select %lt3A_749, %add3A_747, %select_n3A_628 : vector<16xi1>, vector<16xf32>
        %select_n3A_761 = arith.select %lt3A_749, %add3A_748, %select_n3A_629 : vector<16xi1>, vector<16xi32>
        scf.yield %select_n3A_661, %select_n3A_658, %select_n3A_654, %select_n3A_662, %select_n3A_660, %select_n3A_656, %add3A_649, %select_n3A_694, %select_n3A_691, %select_n3A_687, %select_n3A_695, %select_n3A_693, %select_n3A_689, %add3A_682, %select_n3A_727, %select_n3A_724, %select_n3A_720, %select_n3A_728, %select_n3A_726, %select_n3A_722, %add3A_715, %select_n3A_760, %select_n3A_757, %select_n3A_753, %select_n3A_761, %select_n3A_759, %select_n3A_755, %add3A_748 : vector<16xf32>, vector<16xf32>, vector<16xf32>, vector<16xi32>, vector<16xi32>, vector<16xi32>, vector<16xi32>, vector<16xf32>, vector<16xf32>, vector<16xf32>, vector<16xi32>, vector<16xi32>, vector<16xi32>, vector<16xi32>, vector<16xf32>, vector<16xf32>, vector<16xf32>, vector<16xi32>, vector<16xi32>, vector<16xi32>, vector<16xi32>, vector<16xf32>, vector<16xf32>, vector<16xf32>, vector<16xi32>, vector<16xi32>, vector<16xi32>, vector<16xi32>
      }
      %scan3A_64 = arith.constant 64 : i32
      %lt3A = arith.cmpf olt, %scan3A_63#0, %scan3A_63#7 : vector<16xf32>
      %eq3A = arith.cmpf oeq, %scan3A_63#0, %scan3A_63#7 : vector<16xf32>
      %lt3A_65 = arith.cmpi slt, %scan3A_63#3, %scan3A_63#10 : vector<16xi32>
      %and3A_66 = arith.andi %eq3A, %lt3A_65 : vector<16xi1>
      %or3A = arith.ori %lt3A, %and3A_66 : vector<16xi1>
      %select_n3A_67 = arith.select %or3A, %scan3A_63#0, %scan3A_63#7 : vector<16xi1>, vector<16xf32>
      %select_n3A_68 = arith.select %or3A, %scan3A_63#3, %scan3A_63#10 : vector<16xi1>, vector<16xi32>
      %select_n3A_69 = arith.select %or3A, %scan3A_63#1, %scan3A_63#0 : vector<16xi1>, vector<16xf32>
      %select_n3A_70 = arith.select %or3A, %scan3A_63#4, %scan3A_63#3 : vector<16xi1>, vector<16xi32>
      %select_n3A_71 = arith.select %or3A, %scan3A_63#2, %scan3A_63#1 : vector<16xi1>, vector<16xf32>
      %select_n3A_72 = arith.select %or3A, %scan3A_63#5, %scan3A_63#4 : vector<16xi1>, vector<16xi32>
      %select_n3A_73 = arith.select %or3A, %scan3A_63#7, %scan3A_63#8 : vector<16xi1>, vector<16xf32>
      %select_n3A_74 = arith.select %or3A, %scan3A_63#10, %scan3A_63#11 : vector<16xi1>, vector<16xi32>
      %select_n3A_75 = arith.select %or3A, %scan3A_63#8, %scan3A_63#9 : vector<16xi1>, vector<16xf32>
      %select_n3A_76 = arith.select %or3A, %scan3A_63#11, %scan3A_63#12 : vector<16xi1>, vector<16xi32>
      %lt3A_77 = arith.cmpf olt, %select_n3A_69, %select_n3A_73 : vector<16xf32>
      %eq3A_78 = arith.cmpf oeq, %select_n3A_69, %select_n3A_73 : vector<16xf32>
      %lt3A_79 = arith.cmpi slt, %select_n3A_70, %select_n3A_74 : vector<16xi32>
      %and3A_80 = arith.andi %eq3A_78, %lt3A_79 : vector<16xi1>
      %or3A_81 = arith.ori %lt3A_77, %and3A_80 : vector<16xi1>
      %select_n3A_82 = arith.select %or3A_81, %select_n3A_69, %select_n3A_73 : vector<16xi1>, vector<16xf32>
      %select_n3A_83 = arith.select %or3A_81, %select_n3A_70, %select_n3A_74 : vector<16xi1>, vector<16xi32>
      %select_n3A_84 = arith.select %or3A_81, %select_n3A_71, %select_n3A_69 : vector<16xi1>, vector<16xf32>
      %select_n3A_85 = arith.select %or3A_81, %select_n3A_72, %select_n3A_70 : vector<16xi1>, vector<16xi32>
      %select_n3A_86 = arith.select %or3A_81, %select_n3A_73, %select_n3A_75 : vector<16xi1>, vector<16xf32>
      %select_n3A_87 = arith.select %or3A_81, %select_n3A_74, %select_n3A_76 : vector<16xi1>, vector<16xi32>
      %lt3A_88 = arith.cmpf olt, %select_n3A_84, %select_n3A_86 : vector<16xf32>
      %eq3A_89 = arith.cmpf oeq, %select_n3A_84, %select_n3A_86 : vector<16xf32>
      %lt3A_90 = arith.cmpi slt, %select_n3A_85, %select_n3A_87 : vector<16xi32>
      %and3A_91 = arith.andi %eq3A_89, %lt3A_90 : vector<16xi1>
      %or3A_92 = arith.ori %lt3A_88, %and3A_91 : vector<16xi1>
      %select_n3A_93 = arith.select %or3A_92, %select_n3A_84, %select_n3A_86 : vector<16xi1>, vector<16xf32>
      %select_n3A_94 = arith.select %or3A_92, %select_n3A_85, %select_n3A_87 : vector<16xi1>, vector<16xi32>
      %lt3A_95 = arith.cmpf olt, %scan3A_63#14, %scan3A_63#21 : vector<16xf32>
      %eq3A_96 = arith.cmpf oeq, %scan3A_63#14, %scan3A_63#21 : vector<16xf32>
      %lt3A_97 = arith.cmpi slt, %scan3A_63#17, %scan3A_63#24 : vector<16xi32>
      %and3A_98 = arith.andi %eq3A_96, %lt3A_97 : vector<16xi1>
      %or3A_99 = arith.ori %lt3A_95, %and3A_98 : vector<16xi1>
      %select_n3A_100 = arith.select %or3A_99, %scan3A_63#14, %scan3A_63#21 : vector<16xi1>, vector<16xf32>
      %select_n3A_101 = arith.select %or3A_99, %scan3A_63#17, %scan3A_63#24 : vector<16xi1>, vector<16xi32>
      %select_n3A_102 = arith.select %or3A_99, %scan3A_63#15, %scan3A_63#14 : vector<16xi1>, vector<16xf32>
      %select_n3A_103 = arith.select %or3A_99, %scan3A_63#18, %scan3A_63#17 : vector<16xi1>, vector<16xi32>
      %select_n3A_104 = arith.select %or3A_99, %scan3A_63#16, %scan3A_63#15 : vector<16xi1>, vector<16xf32>
      %select_n3A_105 = arith.select %or3A_99, %scan3A_63#19, %scan3A_63#18 : vector<16xi1>, vector<16xi32>
      %select_n3A_106 = arith.select %or3A_99, %scan3A_63#21, %scan3A_63#22 : vector<16xi1>, vector<16xf32>
      %select_n3A_107 = arith.select %or3A_99, %scan3A_63#24, %scan3A_63#25 : vector<16xi1>, vector<16xi32>
      %select_n3A_108 = arith.select %or3A_99, %scan3A_63#22, %scan3A_63#23 : vector<16xi1>, vector<16xf32>
      %select_n3A_109 = arith.select %or3A_99, %scan3A_63#25, %scan3A_63#26 : vector<16xi1>, vector<16xi32>
      %lt3A_110 = arith.cmpf olt, %select_n3A_102, %select_n3A_106 : vector<16xf32>
      %eq3A_111 = arith.cmpf oeq, %select_n3A_102, %select_n3A_106 : vector<16xf32>
      %lt3A_112 = arith.cmpi slt, %select_n3A_103, %select_n3A_107 : vector<16xi32>
      %and3A_113 = arith.andi %eq3A_111, %lt3A_112 : vector<16xi1>
      %or3A_114 = arith.ori %lt3A_110, %and3A_113 : vector<16xi1>
      %select_n3A_115 = arith.select %or3A_114, %select_n3A_102, %select_n3A_106 : vector<16xi1>, vector<16xf32>
      %select_n3A_116 = arith.select %or3A_114, %select_n3A_103, %select_n3A_107 : vector<16xi1>, vector<16xi32>
      %select_n3A_117 = arith.select %or3A_114, %select_n3A_104, %select_n3A_102 : vector<16xi1>, vector<16xf32>
      %select_n3A_118 = arith.select %or3A_114, %select_n3A_105, %select_n3A_103 : vector<16xi1>, vector<16xi32>
      %select_n3A_119 = arith.select %or3A_114, %select_n3A_106, %select_n3A_108 : vector<16xi1>, vector<16xf32>
      %select_n3A_120 = arith.select %or3A_114, %select_n3A_107, %select_n3A_109 : vector<16xi1>, vector<16xi32>
      %lt3A_121 = arith.cmpf olt, %select_n3A_117, %select_n3A_119 : vector<16xf32>
      %eq3A_122 = arith.cmpf oeq, %select_n3A_117, %select_n3A_119 : vector<16xf32>
      %lt3A_123 = arith.cmpi slt, %select_n3A_118, %select_n3A_120 : vector<16xi32>
      %and3A_124 = arith.andi %eq3A_122, %lt3A_123 : vector<16xi1>
      %or3A_125 = arith.ori %lt3A_121, %and3A_124 : vector<16xi1>
      %select_n3A_126 = arith.select %or3A_125, %select_n3A_117, %select_n3A_119 : vector<16xi1>, vector<16xf32>
      %select_n3A_127 = arith.select %or3A_125, %select_n3A_118, %select_n3A_120 : vector<16xi1>, vector<16xi32>
      %lt3A_128 = arith.cmpf olt, %select_n3A_67, %select_n3A_100 : vector<16xf32>
      %eq3A_129 = arith.cmpf oeq, %select_n3A_67, %select_n3A_100 : vector<16xf32>
      %lt3A_130 = arith.cmpi slt, %select_n3A_68, %select_n3A_101 : vector<16xi32>
      %and3A_131 = arith.andi %eq3A_129, %lt3A_130 : vector<16xi1>
      %or3A_132 = arith.ori %lt3A_128, %and3A_131 : vector<16xi1>
      %select_n3A_133 = arith.select %or3A_132, %select_n3A_67, %select_n3A_100 : vector<16xi1>, vector<16xf32>
      %select_n3A_134 = arith.select %or3A_132, %select_n3A_68, %select_n3A_101 : vector<16xi1>, vector<16xi32>
      %select_n3A_135 = arith.select %or3A_132, %select_n3A_82, %select_n3A_67 : vector<16xi1>, vector<16xf32>
      %select_n3A_136 = arith.select %or3A_132, %select_n3A_83, %select_n3A_68 : vector<16xi1>, vector<16xi32>
      %select_n3A_137 = arith.select %or3A_132, %select_n3A_93, %select_n3A_82 : vector<16xi1>, vector<16xf32>
      %select_n3A_138 = arith.select %or3A_132, %select_n3A_94, %select_n3A_83 : vector<16xi1>, vector<16xi32>
      %select_n3A_139 = arith.select %or3A_132, %select_n3A_100, %select_n3A_115 : vector<16xi1>, vector<16xf32>
      %select_n3A_140 = arith.select %or3A_132, %select_n3A_101, %select_n3A_116 : vector<16xi1>, vector<16xi32>
      %select_n3A_141 = arith.select %or3A_132, %select_n3A_115, %select_n3A_126 : vector<16xi1>, vector<16xf32>
      %select_n3A_142 = arith.select %or3A_132, %select_n3A_116, %select_n3A_127 : vector<16xi1>, vector<16xi32>
      %lt3A_143 = arith.cmpf olt, %select_n3A_135, %select_n3A_139 : vector<16xf32>
      %eq3A_144 = arith.cmpf oeq, %select_n3A_135, %select_n3A_139 : vector<16xf32>
      %lt3A_145 = arith.cmpi slt, %select_n3A_136, %select_n3A_140 : vector<16xi32>
      %and3A_146 = arith.andi %eq3A_144, %lt3A_145 : vector<16xi1>
      %or3A_147 = arith.ori %lt3A_143, %and3A_146 : vector<16xi1>
      %select_n3A_148 = arith.select %or3A_147, %select_n3A_135, %select_n3A_139 : vector<16xi1>, vector<16xf32>
      %select_n3A_149 = arith.select %or3A_147, %select_n3A_136, %select_n3A_140 : vector<16xi1>, vector<16xi32>
      %select_n3A_150 = arith.select %or3A_147, %select_n3A_137, %select_n3A_135 : vector<16xi1>, vector<16xf32>
      %select_n3A_151 = arith.select %or3A_147, %select_n3A_138, %select_n3A_136 : vector<16xi1>, vector<16xi32>
      %select_n3A_152 = arith.select %or3A_147, %select_n3A_139, %select_n3A_141 : vector<16xi1>, vector<16xf32>
      %select_n3A_153 = arith.select %or3A_147, %select_n3A_140, %select_n3A_142 : vector<16xi1>, vector<16xi32>
      %lt3A_154 = arith.cmpf olt, %select_n3A_150, %select_n3A_152 : vector<16xf32>
      %eq3A_155 = arith.cmpf oeq, %select_n3A_150, %select_n3A_152 : vector<16xf32>
      %lt3A_156 = arith.cmpi slt, %select_n3A_151, %select_n3A_153 : vector<16xi32>
      %and3A_157 = arith.andi %eq3A_155, %lt3A_156 : vector<16xi1>
      %or3A_158 = arith.ori %lt3A_154, %and3A_157 : vector<16xi1>
      %select_n3A_159 = arith.select %or3A_158, %select_n3A_150, %select_n3A_152 : vector<16xi1>, vector<16xf32>
      %select_n3A_160 = arith.select %or3A_158, %select_n3A_151, %select_n3A_153 : vector<16xi1>, vector<16xi32>
      %swap3A = arith.index_cast %mul3A_39 : i32 to index
      %swap3A_161 = tpu.vector_load %arg20[%swap3A] {strides = array<i32>} : memref<1536xf32, #tpu.memory_space<vmem>>, vector<16xf32>,
      %swap3A_162 = vector.shape_cast %swap3A_161 : vector<16xf32> to vector<16xf32>
      %swap3A_163 = vector.shape_cast %select_n3A_133 : vector<16xf32> to vector<16xf32>
      tpu.vector_store %arg20[%swap3A], %swap3A_163 {strides = array<i32>} : memref<1536xf32, #tpu.memory_space<vmem>>, vector<16xf32>,
      %add3A_164 = arith.constant 512 : i32
      %add3A_165 = arith.addi %add3A_164, %mul3A_39 : i32
      %swap3A_166 = arith.index_cast %add3A_165 : i32 to index
      %swap3A_167 = tpu.vector_load %arg20[%swap3A_166] {strides = array<i32>} : memref<1536xf32, #tpu.memory_space<vmem>>, vector<16xf32>,
      %swap3A_168 = vector.shape_cast %swap3A_167 : vector<16xf32> to vector<16xf32>
      %swap3A_169 = vector.shape_cast %select_n3A_148 : vector<16xf32> to vector<16xf32>
      tpu.vector_store %arg20[%swap3A_166], %swap3A_169 {strides = array<i32>} : memref<1536xf32, #tpu.memory_space<vmem>>, vector<16xf32>,
      %add3A_170 = arith.constant 1024 : i32
      %add3A_171 = arith.addi %add3A_170, %mul3A_39 : i32
      %swap3A_172 = arith.index_cast %add3A_171 : i32 to index
      %swap3A_173 = tpu.vector_load %arg20[%swap3A_172] {strides = array<i32>} : memref<1536xf32, #tpu.memory_space<vmem>>, vector<16xf32>,
      %swap3A_174 = vector.shape_cast %swap3A_173 : vector<16xf32> to vector<16xf32>
      %swap3A_175 = vector.shape_cast %select_n3A_159 : vector<16xf32> to vector<16xf32>
      tpu.vector_store %arg20[%swap3A_172], %swap3A_175 {strides = array<i32>} : memref<1536xf32, #tpu.memory_space<vmem>>, vector<16xf32>,
      %swap3A_176 = arith.index_cast %mul3A_39 : i32 to index
      %swap3A_177 = tpu.vector_load %arg21[%swap3A_176] {strides = array<i32>} : memref<1536xi32, #tpu.memory_space<vmem>>, vector<16xi32>,
      %swap3A_178 = vector.shape_cast %swap3A_177 : vector<16xi32> to vector<16xi32>
      %swap3A_179 = vector.shape_cast %select_n3A_134 : vector<16xi32> to vector<16xi32>
      tpu.vector_store %arg21[%swap3A_176], %swap3A_179 {strides = array<i32>} : memref<1536xi32, #tpu.memory_space<vmem>>, vector<16xi32>,
      %add3A_180 = arith.constant 512 : i32
      %add3A_181 = arith.addi %add3A_180, %mul3A_39 : i32
      %swap3A_182 = arith.index_cast %add3A_181 : i32 to index
      %swap3A_183 = tpu.vector_load %arg21[%swap3A_182] {strides = array<i32>} : memref<1536xi32, #tpu.memory_space<vmem>>, vector<16xi32>,
      %swap3A_184 = vector.shape_cast %swap3A_183 : vector<16xi32> to vector<16xi32>
      %swap3A_185 = vector.shape_cast %select_n3A_149 : vector<16xi32> to vector<16xi32>
      tpu.vector_store %arg21[%swap3A_182], %swap3A_185 {strides = array<i32>} : memref<1536xi32, #tpu.memory_space<vmem>>, vector<16xi32>,
      %add3A_186 = arith.constant 1024 : i32
      %add3A_187 = arith.addi %add3A_186, %mul3A_39 : i32
      %swap3A_188 = arith.index_cast %add3A_187 : i32 to index
      %swap3A_189 = tpu.vector_load %arg21[%swap3A_188] {strides = array<i32>} : memref<1536xi32, #tpu.memory_space<vmem>>, vector<16xi32>,
      %swap3A_190 = vector.shape_cast %swap3A_189 : vector<16xi32> to vector<16xi32>
      %swap3A_191 = vector.shape_cast %select_n3A_160 : vector<16xi32> to vector<16xi32>
      tpu.vector_store %arg21[%swap3A_188], %swap3A_191 {strides = array<i32>} : memref<1536xi32, #tpu.memory_space<vmem>>, vector<16xi32>,
      %scan3A_192 = arith.constant 0 : i32
      scf.yield %scan3A_192 : i32
    }
    %scan3A_31 = arith.constant 32 : i32
    %mul3A_32 = arith.constant 3 : i32
    %mul3A_33 = arith.muli %mul3A_2, %mul3A_32 : i32
    "tpu.region"() ({
      %run_scoped3A = tpu.sem_alloc : memref<!tpu.dma_semaphore, #tpu.memory_space<semaphore_mem>>
      %dma_start3A = tpu.memref_slice %arg10[%mul3A_33] : memref<49152xf32, #tpu.memory_space<hbm>> -> memref<1536xf32, #tpu.memory_space<hbm>>
      %dma_start3A_36 = tpu.memref_slice %arg10[%mul3A_33] : memref<49152xf32, #tpu.memory_space<hbm>> -> memref<1536xf32, #tpu.memory_space<hbm>>
      tpu.enqueue_dma source(%arg20 : memref<1536xf32, #tpu.memory_space<vmem>>) target(%dma_start3A_36 : memref<1536xf32, #tpu.memory_space<hbm>>) target_semaphore(%run_scoped3A : memref<!tpu.dma_semaphore, #tpu.memory_space<semaphore_mem>>)
      %dma_wait3A = tpu.memref_slice %arg10[%mul3A_33] : memref<49152xf32, #tpu.memory_space<hbm>> -> memref<1536xf32, #tpu.memory_space<hbm>>
      %dma_wait3A_37 = tpu.memref_slice %arg10[%mul3A_33] : memref<49152xf32, #tpu.memory_space<hbm>> -> memref<1536xf32, #tpu.memory_space<hbm>>
      tpu.wait_dma2 semaphore(%run_scoped3A : memref<!tpu.dma_semaphore, #tpu.memory_space<semaphore_mem>>) src(%arg20 : memref<1536xf32, #tpu.memory_space<vmem>>) dst(%dma_wait3A_37 : memref<1536xf32, #tpu.memory_space<hbm>>)
      tpu.yield
    }) : () -> ()
    %mul3A_34 = arith.constant 3 : i32
    %mul3A_35 = arith.muli %mul3A_2, %mul3A_34 : i32
    "tpu.region"() ({
      %run_scoped3A = tpu.sem_alloc : memref<!tpu.dma_semaphore, #tpu.memory_space<semaphore_mem>>
      %dma_start3A = tpu.memref_slice %arg11[%mul3A_35] : memref<49152xi32, #tpu.memory_space<hbm>> -> memref<1536xi32, #tpu.memory_space<hbm>>
      %dma_start3A_36 = tpu.memref_slice %arg11[%mul3A_35] : memref<49152xi32, #tpu.memory_space<hbm>> -> memref<1536xi32, #tpu.memory_space<hbm>>
      tpu.enqueue_dma source(%arg21 : memref<1536xi32, #tpu.memory_space<vmem>>) target(%dma_start3A_36 : memref<1536xi32, #tpu.memory_space<hbm>>) target_semaphore(%run_scoped3A : memref<!tpu.dma_semaphore, #tpu.memory_space<semaphore_mem>>)
      %dma_wait3A = tpu.memref_slice %arg11[%mul3A_35] : memref<49152xi32, #tpu.memory_space<hbm>> -> memref<1536xi32, #tpu.memory_space<hbm>>
      %dma_wait3A_37 = tpu.memref_slice %arg11[%mul3A_35] : memref<49152xi32, #tpu.memory_space<hbm>> -> memref<1536xi32, #tpu.memory_space<hbm>>
      tpu.wait_dma2 semaphore(%run_scoped3A : memref<!tpu.dma_semaphore, #tpu.memory_space<semaphore_mem>>) src(%arg21 : memref<1536xi32, #tpu.memory_space<vmem>>) dst(%dma_wait3A_37 : memref<1536xi32, #tpu.memory_space<hbm>>)
      tpu.yield
    }) : () -> ()
    return
  }
}

module attributes {stable_mosaic.version = 14 : i64} {
  func.func @_threenn_block(%arg0: i32, %arg1: i32, %arg2: memref<1x1024x3xf32, #tpu.memory_space<vmem>>, %arg3: memref<1x3x1024xf32, #tpu.memory_space<vmem>>, %arg4: memref<1x1024x3xf32, #tpu.memory_space<vmem>>, %arg5: memref<1x1024x3xi32, #tpu.memory_space<vmem>>) attributes {dimension_semantics = [#tpu.dimension_semantics<arbitrary>, #tpu.dimension_semantics<arbitrary>], iteration_bounds = array<i64: 12, 4>, scalar_prefetch = 0 : i64, scratch_operands = 0 : i64, tpu.core_type = #tpu.core_type<tc>, window_params = [{transform_indices = @transform_0, window_bounds = array<i64: 1, 1024, 3>}, {transform_indices = @transform_1, window_bounds = array<i64: 1, 3, 1024>}, {transform_indices = @transform_2, window_bounds = array<i64: 1, 1024, 3>}, {transform_indices = @transform_3, window_bounds = array<i64: 1, 1024, 3>}]} {
    %get3A = arith.constant 0 : index
    %get3A_0 = arith.constant 0 : index
    %get3A_1 = arith.constant 0 : index
    %get3A_2 = vector.load %arg2[%get3A, %get3A_0, %get3A_1] : memref<1x1024x3xf32, #tpu.memory_space<vmem>>, vector<1x1024x3xf32>
    %get3A_3 = vector.shape_cast %get3A_2 : vector<1x1024x3xf32> to vector<1024x3xf32>
    %get3A_4 = arith.constant 0 : index
    %get3A_5 = arith.constant 0 : index
    %get3A_6 = arith.constant 0 : index
    %get3A_7 = vector.load %arg3[%get3A_4, %get3A_5, %get3A_6] : memref<1x3x1024xf32, #tpu.memory_space<vmem>>, vector<1x3x1024xf32>
    %get3A_8 = vector.shape_cast %get3A_7 : vector<1x3x1024xf32> to vector<3x1024xf32>
    %slice3A = vector.extract_strided_slice %get3A_3 {offsets = [0, 0], sizes = [1024, 1], strides = [1, 1]} : vector<1024x3xf32> to vector<1024x1xf32>
    %slice3A_9 = vector.extract_strided_slice %get3A_3 {offsets = [0, 1], sizes = [1024, 1], strides = [1, 1]} : vector<1024x3xf32> to vector<1024x1xf32>
    %slice3A_10 = vector.extract_strided_slice %get3A_3 {offsets = [0, 2], sizes = [1024, 1], strides = [1, 1]} : vector<1024x3xf32> to vector<1024x1xf32>
    %slice3A_11 = vector.extract_strided_slice %get3A_8 {offsets = [0, 0], sizes = [1, 1024], strides = [1, 1]} : vector<3x1024xf32> to vector<1x1024xf32>
    %slice3A_12 = vector.extract_strided_slice %get3A_8 {offsets = [1, 0], sizes = [1, 1024], strides = [1, 1]} : vector<3x1024xf32> to vector<1x1024xf32>
    %slice3A_13 = vector.extract_strided_slice %get3A_8 {offsets = [2, 0], sizes = [1, 1024], strides = [1, 1]} : vector<3x1024xf32> to vector<1x1024xf32>
    %mul3A = arith.constant -2.000000e+00 : f32
    %mul3A_14 = vector.broadcast %mul3A : f32 to vector<1024x3xf32>
    %mul3A_15 = arith.mulf %mul3A_14, %get3A_3 : vector<1024x3xf32>
    %convert_element_type3A = arith.truncf %mul3A_15 : vector<1024x3xf32> to vector<1024x3xbf16>
    %convert_element_type3A_16 = arith.truncf %get3A_8 : vector<3x1024xf32> to vector<3x1024xbf16>
    %dot_general3A = arith.constant dense<0.000000e+00> : vector<1024x1024xf32>
    %dot_general3A_17 = tpu.matmul %convert_element_type3A, %convert_element_type3A_16, %dot_general3A {dimension_numbers = #tpu.dot_dimension_numbers<[1], [0], [0], [1], [0, 0, 1, 1], [], []>, transpose_lhs_hint = false} : vector<1024x3xbf16>, vector<3x1024xbf16>, vector<1024x1024xf32> -> vector<1024x1024xf32>
    %mul3A_18 = arith.mulf %slice3A, %slice3A : vector<1024x1xf32>
    %mul3A_19 = arith.mulf %slice3A_9, %slice3A_9 : vector<1024x1xf32>
    %add3A = arith.addf %mul3A_18, %mul3A_19 : vector<1024x1xf32>
    %mul3A_20 = arith.mulf %slice3A_10, %slice3A_10 : vector<1024x1xf32>
    %add3A_21 = arith.addf %add3A, %mul3A_20 : vector<1024x1xf32>
    %mul3A_22 = arith.mulf %slice3A_11, %slice3A_11 : vector<1x1024xf32>
    %mul3A_23 = arith.mulf %slice3A_12, %slice3A_12 : vector<1x1024xf32>
    %add3A_24 = arith.addf %mul3A_22, %mul3A_23 : vector<1x1024xf32>
    %mul3A_25 = arith.mulf %slice3A_13, %slice3A_13 : vector<1x1024xf32>
    %add3A_26 = arith.addf %add3A_24, %mul3A_25 : vector<1x1024xf32>
    %add3A_27 = vector.broadcast %add3A_21 : vector<1024x1xf32> to vector<1024x1024xf32>
    %add3A_28 = arith.addf %dot_general3A_17, %add3A_27 : vector<1024x1024xf32>
    %add3A_29 = vector.broadcast %add3A_26 : vector<1x1024xf32> to vector<1024x1024xf32>
    %add3A_30 = arith.addf %add3A_28, %add3A_29 : vector<1024x1024xf32>
    %iota3A = tpu.iota {dimensions = array<i32: 1>} : vector<1024x1024xi32>
    %convert_element_type3A_31 = arith.sitofp %iota3A : vector<1024x1024xi32> to vector<1024x1024xf32>
    %reduce_min3A = arith.constant dense<0x7F800000> : vector<1024xf32>
    %reduce_min3A_32 = vector.multi_reduction <minimumf>, %add3A_30, %reduce_min3A [1] : vector<1024x1024xf32> to vector<1024xf32>
    %broadcast_in_dim3A = vector.shape_cast %reduce_min3A_32 : vector<1024xf32> to vector<1024x1xf32>
    %eq3A = vector.broadcast %broadcast_in_dim3A : vector<1024x1xf32> to vector<1024x1024xf32>
    %eq3A_33 = arith.cmpf oeq, %add3A_30, %eq3A : vector<1024x1024xf32>
    %jit3A = arith.constant 1.024000e+03 : f32
    %broadcast_in_dim3A_34 = vector.broadcast %jit3A : f32 to vector<1024x1024xf32>
    %select_n3A = arith.select %eq3A_33, %convert_element_type3A_31, %broadcast_in_dim3A_34 : vector<1024x1024xi1>, vector<1024x1024xf32>
    %reduce_min3A_35 = arith.constant dense<0x7F800000> : vector<1024xf32>
    %reduce_min3A_36 = vector.multi_reduction <minimumf>, %select_n3A, %reduce_min3A_35 [1] : vector<1024x1024xf32> to vector<1024xf32>
    %broadcast_in_dim3A_37 = vector.shape_cast %reduce_min3A_36 : vector<1024xf32> to vector<1024x1xf32>
    %swap3A = arith.constant 0 : index
    %swap3A_38 = arith.constant 0 : index
    %swap3A_39 = arith.constant 0 : index
    %swap3A_40 = vector.load %arg4[%swap3A, %swap3A_38, %swap3A_39] : memref<1x1024x3xf32, #tpu.memory_space<vmem>>, vector<1x1024x1xf32>
    %swap3A_41 = vector.shape_cast %swap3A_40 : vector<1x1024x1xf32> to vector<1024x1xf32>
    %swap3A_42 = vector.shape_cast %broadcast_in_dim3A : vector<1024x1xf32> to vector<1x1024x1xf32>
    tpu.vector_store %arg4[%swap3A, %swap3A_38, %swap3A_39], %swap3A_42 {strides = array<i32>} : memref<1x1024x3xf32, #tpu.memory_space<vmem>>, vector<1x1024x1xf32>,
    %convert_element_type3A_43 = arith.fptosi %broadcast_in_dim3A_37 : vector<1024x1xf32> to vector<1024x1xi32>
    %swap3A_44 = arith.constant 0 : index
    %swap3A_45 = arith.constant 0 : index
    %swap3A_46 = arith.constant 0 : index
    %swap3A_47 = vector.load %arg5[%swap3A_44, %swap3A_45, %swap3A_46] : memref<1x1024x3xi32, #tpu.memory_space<vmem>>, vector<1x1024x1xi32>
    %swap3A_48 = vector.shape_cast %swap3A_47 : vector<1x1024x1xi32> to vector<1024x1xi32>
    %swap3A_49 = vector.shape_cast %convert_element_type3A_43 : vector<1024x1xi32> to vector<1x1024x1xi32>
    tpu.vector_store %arg5[%swap3A_44, %swap3A_45, %swap3A_46], %swap3A_49 {strides = array<i32>} : memref<1x1024x3xi32, #tpu.memory_space<vmem>>, vector<1x1024x1xi32>,
    %eq3A_50 = vector.broadcast %broadcast_in_dim3A_37 : vector<1024x1xf32> to vector<1024x1024xf32>
    %eq3A_51 = arith.cmpf oeq, %convert_element_type3A_31, %eq3A_50 : vector<1024x1024xf32>
    %jit3A_52 = arith.constant 0x7F800000 : f32
    %broadcast_in_dim3A_53 = vector.broadcast %jit3A_52 : f32 to vector<1024x1024xf32>
    %select_n3A_54 = arith.select %eq3A_51, %broadcast_in_dim3A_53, %add3A_30 : vector<1024x1024xi1>, vector<1024x1024xf32>
    %reduce_min3A_55 = arith.constant dense<0x7F800000> : vector<1024xf32>
    %reduce_min3A_56 = vector.multi_reduction <minimumf>, %select_n3A_54, %reduce_min3A_55 [1] : vector<1024x1024xf32> to vector<1024xf32>
    %broadcast_in_dim3A_57 = vector.shape_cast %reduce_min3A_56 : vector<1024xf32> to vector<1024x1xf32>
    %eq3A_58 = vector.broadcast %broadcast_in_dim3A_57 : vector<1024x1xf32> to vector<1024x1024xf32>
    %eq3A_59 = arith.cmpf oeq, %select_n3A_54, %eq3A_58 : vector<1024x1024xf32>
    %jit3A_60 = arith.constant 1.024000e+03 : f32
    %broadcast_in_dim3A_61 = vector.broadcast %jit3A_60 : f32 to vector<1024x1024xf32>
    %select_n3A_62 = arith.select %eq3A_59, %convert_element_type3A_31, %broadcast_in_dim3A_61 : vector<1024x1024xi1>, vector<1024x1024xf32>
    %reduce_min3A_63 = arith.constant dense<0x7F800000> : vector<1024xf32>
    %reduce_min3A_64 = vector.multi_reduction <minimumf>, %select_n3A_62, %reduce_min3A_63 [1] : vector<1024x1024xf32> to vector<1024xf32>
    %broadcast_in_dim3A_65 = vector.shape_cast %reduce_min3A_64 : vector<1024xf32> to vector<1024x1xf32>
    %swap3A_66 = arith.constant 0 : index
    %swap3A_67 = arith.constant 0 : index
    %swap3A_68 = arith.constant 1 : index
    %swap3A_69 = vector.load %arg4[%swap3A_66, %swap3A_67, %swap3A_68] : memref<1x1024x3xf32, #tpu.memory_space<vmem>>, vector<1x1024x1xf32>
    %swap3A_70 = vector.shape_cast %swap3A_69 : vector<1x1024x1xf32> to vector<1024x1xf32>
    %swap3A_71 = vector.shape_cast %broadcast_in_dim3A_57 : vector<1024x1xf32> to vector<1x1024x1xf32>
    tpu.vector_store %arg4[%swap3A_66, %swap3A_67, %swap3A_68], %swap3A_71 {strides = array<i32>} : memref<1x1024x3xf32, #tpu.memory_space<vmem>>, vector<1x1024x1xf32>,
    %convert_element_type3A_72 = arith.fptosi %broadcast_in_dim3A_65 : vector<1024x1xf32> to vector<1024x1xi32>
    %swap3A_73 = arith.constant 0 : index
    %swap3A_74 = arith.constant 0 : index
    %swap3A_75 = arith.constant 1 : index
    %swap3A_76 = vector.load %arg5[%swap3A_73, %swap3A_74, %swap3A_75] : memref<1x1024x3xi32, #tpu.memory_space<vmem>>, vector<1x1024x1xi32>
    %swap3A_77 = vector.shape_cast %swap3A_76 : vector<1x1024x1xi32> to vector<1024x1xi32>
    %swap3A_78 = vector.shape_cast %convert_element_type3A_72 : vector<1024x1xi32> to vector<1x1024x1xi32>
    tpu.vector_store %arg5[%swap3A_73, %swap3A_74, %swap3A_75], %swap3A_78 {strides = array<i32>} : memref<1x1024x3xi32, #tpu.memory_space<vmem>>, vector<1x1024x1xi32>,
    %eq3A_79 = vector.broadcast %broadcast_in_dim3A_65 : vector<1024x1xf32> to vector<1024x1024xf32>
    %eq3A_80 = arith.cmpf oeq, %convert_element_type3A_31, %eq3A_79 : vector<1024x1024xf32>
    %jit3A_81 = arith.constant 0x7F800000 : f32
    %broadcast_in_dim3A_82 = vector.broadcast %jit3A_81 : f32 to vector<1024x1024xf32>
    %select_n3A_83 = arith.select %eq3A_80, %broadcast_in_dim3A_82, %select_n3A_54 : vector<1024x1024xi1>, vector<1024x1024xf32>
    %reduce_min3A_84 = arith.constant dense<0x7F800000> : vector<1024xf32>
    %reduce_min3A_85 = vector.multi_reduction <minimumf>, %select_n3A_83, %reduce_min3A_84 [1] : vector<1024x1024xf32> to vector<1024xf32>
    %broadcast_in_dim3A_86 = vector.shape_cast %reduce_min3A_85 : vector<1024xf32> to vector<1024x1xf32>
    %eq3A_87 = vector.broadcast %broadcast_in_dim3A_86 : vector<1024x1xf32> to vector<1024x1024xf32>
    %eq3A_88 = arith.cmpf oeq, %select_n3A_83, %eq3A_87 : vector<1024x1024xf32>
    %jit3A_89 = arith.constant 1.024000e+03 : f32
    %broadcast_in_dim3A_90 = vector.broadcast %jit3A_89 : f32 to vector<1024x1024xf32>
    %select_n3A_91 = arith.select %eq3A_88, %convert_element_type3A_31, %broadcast_in_dim3A_90 : vector<1024x1024xi1>, vector<1024x1024xf32>
    %reduce_min3A_92 = arith.constant dense<0x7F800000> : vector<1024xf32>
    %reduce_min3A_93 = vector.multi_reduction <minimumf>, %select_n3A_91, %reduce_min3A_92 [1] : vector<1024x1024xf32> to vector<1024xf32>
    %broadcast_in_dim3A_94 = vector.shape_cast %reduce_min3A_93 : vector<1024xf32> to vector<1024x1xf32>
    %swap3A_95 = arith.constant 0 : index
    %swap3A_96 = arith.constant 0 : index
    %swap3A_97 = arith.constant 2 : index
    %swap3A_98 = vector.load %arg4[%swap3A_95, %swap3A_96, %swap3A_97] : memref<1x1024x3xf32, #tpu.memory_space<vmem>>, vector<1x1024x1xf32>
    %swap3A_99 = vector.shape_cast %swap3A_98 : vector<1x1024x1xf32> to vector<1024x1xf32>
    %swap3A_100 = vector.shape_cast %broadcast_in_dim3A_86 : vector<1024x1xf32> to vector<1x1024x1xf32>
    tpu.vector_store %arg4[%swap3A_95, %swap3A_96, %swap3A_97], %swap3A_100 {strides = array<i32>} : memref<1x1024x3xf32, #tpu.memory_space<vmem>>, vector<1x1024x1xf32>,
    %convert_element_type3A_101 = arith.fptosi %broadcast_in_dim3A_94 : vector<1024x1xf32> to vector<1024x1xi32>
    %swap3A_102 = arith.constant 0 : index
    %swap3A_103 = arith.constant 0 : index
    %swap3A_104 = arith.constant 2 : index
    %swap3A_105 = vector.load %arg5[%swap3A_102, %swap3A_103, %swap3A_104] : memref<1x1024x3xi32, #tpu.memory_space<vmem>>, vector<1x1024x1xi32>
    %swap3A_106 = vector.shape_cast %swap3A_105 : vector<1x1024x1xi32> to vector<1024x1xi32>
    %swap3A_107 = vector.shape_cast %convert_element_type3A_101 : vector<1024x1xi32> to vector<1x1024x1xi32>
    tpu.vector_store %arg5[%swap3A_102, %swap3A_103, %swap3A_104], %swap3A_107 {strides = array<i32>} : memref<1x1024x3xi32, #tpu.memory_space<vmem>>, vector<1x1024x1xi32>,
    return
  }
  func.func @transform_0(%arg0: i32, %arg1: i32) -> (i32, i32, i32) {
    %c0_i32 = arith.constant 0 : i32
    %c0_i32_0 = arith.constant 0 : i32
    return %arg0, %arg1, %c0_i32 : i32, i32, i32
  }
  func.func @transform_1(%arg0: i32, %arg1: i32) -> (i32, i32, i32) {
    %c0_i32 = arith.constant 0 : i32
    %c0_i32_0 = arith.constant 0 : i32
    %c0_i32_1 = arith.constant 0 : i32
    return %arg0, %c0_i32, %c0_i32_0 : i32, i32, i32
  }
  func.func @transform_2(%arg0: i32, %arg1: i32) -> (i32, i32, i32) {
    %c0_i32 = arith.constant 0 : i32
    %c0_i32_0 = arith.constant 0 : i32
    return %arg0, %arg1, %c0_i32 : i32, i32, i32
  }
  func.func @transform_3(%arg0: i32, %arg1: i32) -> (i32, i32, i32) {
    %c0_i32 = arith.constant 0 : i32
    %c0_i32_0 = arith.constant 0 : i32
    return %arg0, %arg1, %c0_i32 : i32, i32, i32
  }
}

</mosaic_0001>

<sc_bundles>
// kernel: kernel.4.cloned.1.call-start
scs
__scs_entry_jumppad:
0x0: {  	(pc) =	sbr.rel $0x88, $3  }
0x1: {  	(tag) =	ssettag $0x0;
	lr =	simm.s32 $0x1  }
0x2: {  	[smem:$0x3F9F] =	sst lr;
	_ =	strace $0xD0000000  }
0x3: {  	_ = 	snop  }
0x4: {  	_ = 	snop  }
0x5: {  	_ = 	snop  }
0x6: {  	_ = 	snop  }
0x7: {  	_ = 	snop  }
__scs_overlays_trampoline_lowered:
0x8: {  	[smem:$0x3FAE] =	sst s0  }
0x9: {  	[smem:$0x3FAF] =	sst s1  }
0xa: {  	[smem:$0x3FB0] =	sst s2  }
0xb: {  	[smem:$0x3FB1] =	sst s3  }
0xc: {  	[smem:$0x3FB2] =	sst s4  }
0xd: {  	[smem:$0x3FB3] =	sst s5  }
0xe: {  	[smem:$0x3FB4] =	sst s6  }
0xf: {  	[smem:$0x3FB5] =	sst s7  }
0x10: {  	[smem:$0x3FB6] =	sst s8  }
0x11: {  	[smem:$0x3FB7] =	sst s9;
	s0 =	simm.s32 @!p0 $0x0  }
0x12: {  	s1 =	sld [smem:$0x3F9D];
	s0 =	simm.s32 @p0 $0x1  }
0x13: {  	[smem:$0x3FB8] =	sst s0;
	s0 =	simm.s32 @!p1 $0x0  }
0x14: {  	s2 =	sld [smem:$0x3F9C];
	s0 =	simm.s32 @p1 $0x1  }
0x15: {  	[smem:$0x3FB9] =	sst s0;
	s0 =	simm.s32 @!p2 $0x0  }
0x16: {  	s3 =	sld [smem:$0x3FDB];
	s0 =	simm.s32 @p2 $0x1  }
0x17: {  	s4 =	simm.s32 $0x1BF5;
	[smem:$0x3FBB] =	sst s0  }
0x18: {  	s0 =	sld [smem:$0x3F9E];
	_ =	swait.ge [sflag:s4], $0x0  }
0x19: {  	s7 =	sld [smem:$0x3F9F]  }
0x1a: {  	s8 =	sadd.s32 $0xFFFFE003, lr  }
0x1b: {  	s9 =	sadd.s32 $0xFFFFFEF7, lr;
	s5 =	simm.s32 $0xFFFFFFFF;
	p2 =	slt.u32 s8, $0xFFFFF086  }
0x1c: {  	p1 =	slt.u32 s9, $0xF7A;
	s5 =	simm.s32 @!p2 $0x0  }
0x1d: {  	s5 =	simm.s32 @p1 $0x1;
	p0 =	seq.s32 s7, s2  }
0x1e: {  	s7 =	smul.u32 @!p0 $0xF7A, s2;
	p2 =	seq.s32 @!p0 s5, $0x0  }
0x1f: {  	s9 =	smul.u32 $0xF7A, s1;
	s8 =	simm.s32 @!p0 $0x1BF5;
	p2 =	por !p2, p0  }
0x20: {  	[sflag:s8] =	ssyncset.s32 @!p0 $0xFFFFF086;
	s6 =	sadd.s32 @!p0 s3, s7;
	s7 =	simm.s32 @!p0 $0x108  }
0x21: {  	s3 =	sadd.s32 s3, s9;
	s6 =	sadd.s32 @!p0 $0x88, s6;
	s7 =	simm.s32 @p2 $0x1082  }
0x22: {  	[simem:s7], [sflag:s8] =	dma.local @!p0 [hbm:s6], $0xF7A  }
0x23: {  	s9 =	sor.u32 $0xD0000000, s2;
	s6 =	simm.s32 $0x108;
	_ =	swait.ge @!p0 [sflag:s8], $0x0  }
0x24: {  	s3 =	sadd.s32 $0x88, s3;
	s6 =	simm.s32 @!p1 $0x1082;
	[sflag:s4] =	ssyncset.s32 $0xFFFFF086  }
0x25: {  	[simem:s6], [sflag:s4] =	dma.local [hbm:s3], $0xF7A  }
0x26: {  	[smem:$0x3F9F] =	sst s1;
	(tag) =	ssettag s2;
	_ =	strace s9  }
0x27: {  	s1 =	sld [smem:$0x3FAF]  }
0x28: {  	s2 =	sld [smem:$0x3FB0]  }
0x29: {  	s4 =	sld [smem:$0x3FB2]  }
0x2a: {  	p0 =	seq.s32 s5, $0x0;
	s5 =	sld [smem:$0x3FB3]  }
0x2b: {  	s6 =	sld [smem:$0x3FB4]  }
0x2c: {  	s7 =	sld [smem:$0x3FB5]  }
0x2d: {  	s3 =	simm.s32 $0x108;
	s8 =	sld [smem:$0x3FB6]  }
0x2e: {  	s3 =	simm.s32 @!p0 $0x1082;
	s9 =	sld [smem:$0x3FB7]  }
0x2f: {  	lr =	sadd.s32 s0, s3;
	s0 =	sld [smem:$0x3FAE]  }
0x30: {  	s3 =	sld [smem:$0x3FB1]  }
0x31: {  	[smem:$0x3FBA] =	sst s10  }
0x32: {  	s10 =	sld [smem:$0x3FB8];
	_ =	sdelay $0x3  }
0x33: {  	p0 =	seq.s32 s10, $0x1;
	s10 =	sld [smem:$0x3FBA];
	_ =	sdelay $0x3  }
0x34: {  	[smem:$0x3FBA] =	sst s10  }
0x35: {  	s10 =	sld [smem:$0x3FB9];
	_ =	sdelay $0x3  }
0x36: {  	p1 =	seq.s32 s10, $0x1;
	s10 =	sld [smem:$0x3FBA];
	_ =	sdelay $0x3  }
0x37: {  	[smem:$0x3FBA] =	sst s10  }
0x38: {  	s10 =	sld [smem:$0x3FBB]  }
0x39: {  	_ = 	snop;
	(pc) =	sbr.ind lr, $3  }
0x3a: {  	_ = 	snop  }
0x3b: {  	_ = 	snop  }
0x3c: {  	p2 =	seq.s32 s10, $0x1;
	s10 =	sld [smem:$0x3FBA]  }
0x3d: {  	_ =	shalt  }
0x3e: {  	_ =	shalt  }
0x3f: {  	_ =	shalt  }
0x40: {  	_ =	shalt  }
0x41: {  	_ =	shalt  }
0x42: {  	_ =	shalt  }
0x43: {  	_ =	shalt  }
0x44: {  	_ =	shalt  }
0x45: {  	_ =	shalt  }
0x46: {  	_ =	shalt  }
0x47: {  	_ =	shalt  }
0x48: {  	_ =	shalt  }
0x49: {  	_ =	shalt  }
0x4a: {  	_ =	shalt  }
0x4b: {  	_ =	shalt  }
0x4c: {  	_ =	shalt  }
0x4d: {  	_ =	shalt  }
0x4e: {  	_ =	shalt  }
0x4f: {  	_ =	shalt  }
0x50: {  	_ =	shalt  }
0x51: {  	_ =	shalt  }
0x52: {  	_ =	shalt  }
0x53: {  	_ =	shalt  }
0x54: {  	_ =	shalt  }
0x55: {  	_ =	shalt  }
0x56: {  	_ =	shalt  }
0x57: {  	_ =	shalt  }
0x58: {  	_ =	shalt  }
0x59: {  	_ =	shalt  }
0x5a: {  	_ =	shalt  }
0x5b: {  	_ =	shalt  }
0x5c: {  	_ =	shalt  }
0x5d: {  	_ =	shalt  }
0x5e: {  	_ =	shalt  }
0x5f: {  	_ =	shalt  }
0x60: {  	_ =	shalt  }
0x61: {  	_ =	shalt  }
0x62: {  	_ =	shalt  }
0x63: {  	_ =	shalt  }
0x64: {  	_ =	shalt  }
0x65: {  	_ =	shalt  }
0x66: {  	_ =	shalt  }
0x67: {  	_ =	shalt  }
0x68: {  	_ =	shalt  }
0x69: {  	_ =	shalt  }
0x6a: {  	_ =	shalt  }
0x6b: {  	_ =	shalt  }
0x6c: {  	_ =	shalt  }
0x6d: {  	_ =	shalt  }
0x6e: {  	_ =	shalt  }
0x6f: {  	_ =	shalt  }
0x70: {  	_ =	shalt  }
0x71: {  	_ =	shalt  }
0x72: {  	_ =	shalt  }
0x73: {  	_ =	shalt  }
0x74: {  	_ =	shalt  }
0x75: {  	_ =	shalt  }
0x76: {  	_ =	shalt  }
0x77: {  	_ =	shalt  }
0x78: {  	_ =	shalt  }
0x79: {  	_ =	shalt  }
0x7a: {  	_ =	shalt  }
0x7b: {  	_ =	shalt  }
0x7c: {  	_ =	shalt  }
0x7d: {  	_ =	shalt  }
0x7e: {  	_ =	shalt  }
0x7f: {  	_ =	shalt  }
0x80: {  	_ =	shalt  }
0x81: {  	_ =	shalt  }
0x82: {  	_ =	shalt  }
0x83: {  	_ =	shalt  }
0x84: {  	_ =	shalt  }
0x85: {  	_ =	shalt  }
0x86: {  	_ =	shalt  }
0x87: {  	_ =	shalt  }
.Lfunc_end0:
.L_simem_size_0:
called_computation_lowered:
.L_overlay_start_0:
0x88: {  	s2 =	sld [smem:$0x3FD9]  }
0x89: {  	s3 =	sld [smem:$0x3FFE];
	_ =	sdelay $0x1  }
0x8a: {  	s1 =	srdreg.scid  }
0x8b: {  	s0 =	sand.u32 $0x1, s1  }
0x8c: {  	s14 =	sshll.u32 s0, $0xA;
	s2 =	sadd.s32 s3, s2  }
0x8d: {  	s2 =	sadd.s32 s2, s14  }
0x8e: {  	[smem:$0x3FC6] =	sst s2  }
0x8f: {  	_ = 	snop  }
0x90: {  	s2 =	sld [smem:$0x3FD0];
	_ =	sdelay $0x2  }
0x91: {  	s15 =	simm.s32 $0xA;
	s4 =	simm.s32 $0x10  }
0x92: {  	[smem:s4], [sflag:s15] =	dma.local [hbm:s2], $0x1  }
0x93: {  	_ =	swait.eq [sflag:s15], $0x1  }
0x94: {  	[sflag:s15] =	ssyncset.done $0x0  }
0x95: {  	s16 =	sld [smem:$0x10];
	[sflag:s15] =	ssyncadd.s32 $0xFFFFFFFF  }
0x96: {  	s17 =	sld [smem:$0x11];
	(tm) =	ssettm $0x1  }
0x97: {  	s18 =	sld [smem:$0x3FFB];
	_ =	sdelay $0x3  }
0x98: {  	_ =	strace s18  }
0x99: {  	s4 =	sld [smem:$0x3FFC];
	_ =	sdelay $0x3  }
0x9a: {  	_ =	strace s4  }
0x9b: {  	s4 =	sld [smem:$0x3FFD];
	_ =	sdelay $0x3  }
0x9c: {  	_ =	strace s4  }
0x9d: {  	_ =	strace $0x8FFFFFFF  }
0x9e: {  	s19 =	sld [smem:$0x3FDB];
	_ =	sdelay $0x1  }
0x9f: {  	s5 =	simm.s32 $_scs_section_size  }
0xa0: {  	s6 =	simm.s32 $_size__tile_overlayer_lowered;
	s7 =	simm.s32 $_tile_overlayer_lowered  }
0xa1: {  	s22 =	simm.s32 $0x1BFF;
	s21 =	sshll.u32 s7, $0x1;
	s4 =	sadd.s32 s5, s19  }
0xa2: {  	s8 =	simm.s32 $0x0;
	s20 =	sshll.u32 s6, $0x1;
	s6 =	sadd.s32 s21, s4  }
0xa3: {  	[timem:s8], [sflag:s22] =	dma.local [hbm:s6], s20  }
0xa4: {  	_ =	swait.ge [sflag:s22], s20  }
0xa5: {  	s5 =	ssub.s32 $0x0, s20;
	[sflag:s22] =	ssyncset.done $0x0  }
0xa6: {  	[sflag:s22] =	ssyncadd.s32 s5;
	_ =	sdelay $0x1  }
0xa7: {  	s23 =	simm.s32 $0x1B8B  }
0xa8: {  	_ =	swait.ge [sflag:s23], $0x1  }
0xa9: {  	[sflag:s23] =	ssyncset.done $0x0  }
0xaa: {  	s25 =	simm.s32 $0x1B8E;
	s24 =	sld [smem:$0x3FFE];
	[sflag:s23] =	ssyncadd.s32 $0xFFFFFFFF  }
0xab: {  	s26 =	simm.s32 $execute0_lowered;
	[smem:$0x3FD2] =	sst s25  }
0xac: {  	s6 =	sshll.u32 s26, $0x1;
	_ =	strace $0x80000046;
	[dreg:$0x1] =	wrdreg $0xFFFFFFFF  }
0xad: {  	s28 =	simm.s32 $_size_execute0_lowered;
	s4 =	sadd.s32 s4, s6;
	[dreg:$0x0] =	wrdreg $0x0  }
0xae: {  	s6 =	sshll.u32 s28, $0x1;
	[dreg:$0x2] =	wrdreg s4  }
0xaf: {  	[dreg:$0x3] =	wrdreg s6  }
0xb0: {  	[dreg:$0x4] =	wrdreg $0xC0  }
0xb1: {  	_ =	task [dreg:s8], $0x5FFFF  }
0xb2: {  	[dreg:$0x1] =	wrdreg $0xFFFFFFFF  }
0xb3: {  	[dreg:$0x0] =	wrdreg $0x60  }
0xb4: {  	[dreg:$0x2] =	wrdreg s24  }
0xb5: {  	[dreg:$0x3] =	wrdreg s17  }
0xb6: {  	[dreg:$0x4] =	wrdreg s16  }
0xb7: {  	[dreg:$0x5] =	wrdreg $0x9  }
0xb8: {  	_ =	task.clear_ibuf [dreg:s8], $0x6FFFF;
	_ =	strace $0x90000046  }
0xb9: {  	s29 =	simm.s32 $0x9;
	_ =	strace $0x80000048  }
0xba: {  	_ =	swait.ge [sflag:s29], $0x1  }
0xbb: {  	[sflag:s29] =	ssyncadd.s32 $0xFFFFFFFF  }
0xbc: {  	_ =	strace $0x90000048  }
0xbd: {  	_ =	sfence  }
0xbe: {  	s30 =	sld [smem:$0x0];
	_ =	sdelay $0x2  }
0xbf: {  	s31 =	sshll.u32 s1, $0xD;
	s1 =	sshrl.u32 s1, $0x2  }
0xc0: {  	s3 =	sand.u32 $0x4000, s31;
	s1 =	sadd.s32 s1, s30  }
0xc1: {  	s0 =	sor.u32 s3, s0;
	s1 =	sshll.u32 s1, $0x11  }
0xc2: {  	s0 =	sor.u32 s1, s0  }
0xc3: {  	s0 =	sadd.s32 $0x8F2B, s0  }
0xc4: {  	[sflag:s0] =	ssyncadd.remote.s32 $0x1  }
0xc5: {  	_ =	sfence.sel $0xFFFF  }
0xc6: {  	[dreg:$0x0] =	wrdreg $0xFFFFFFFF;
	(pc) =	sbr.abs _section_cstart, $3  }
0xc7: {  	[dreg:$0x1] =	wrdreg $0xFFFFFFFF  }
0xc8: {  	_ =	task.clear_ibuf [dreg:s8], $0x2FFFF;
	_ =	strace $0x9FFFFFFF  }
0xc9: {  	(tm) =	ssettm $0x7FFFFFFF  }
tec
execute0_lowered:
.L_overlay_start_1:
0x0: {  	(tag) =	ssettag $0x1  }
0x1: {  	s3 =	rddreg [dreg:$0x0]  }
0x2: {  	s11 =	rddreg [dreg:$0x1]  }
0x3: {  	s12 =	rddreg [dreg:$0x2]  }
0x4: {  	s0 =	rddreg [dreg:$0x3]  }
0x5: {  	s2 =	simm.s32 $0x0;
	s4 =	srdreg.scid;
	s1 =	stileid.u32  }
0x6: {  	s15 =	simm.s32 $0x200;
	s16 =	simm.s32 $0x400;
	s17 =	simm.s32 $0x600  }
0x7: {  	s18 =	simm.s32 $0x800;
	s19 =	simm.s32 $0xC00;
	s20 =	simm.s32 $0x1000  }
0x8: {  	s21 =	simm.s32 $0x1400;
	s22 =	simm.s32 $0x1800;
	s23 =	simm.s32 $0x1E00  }
0x9: {  	s24 =	simm.s32 $0x0;
	[smem:$0x7FF] =	sst s2;
	s4 =	sand.u32 $0x1, s4  }
0xa: {  	s5 =	sshll.u32 s1, $0x1;
	s30 =	sshll.u32 s1, $0x5;
	_ =	strace $0x80000047  }
0xb: {  	s7 =	sor.u32 s4, s5;
	s5 =	sand.u32 $0x180, s30;
	s4 =	ssub.s32 $0x2, s4  }
0xc: {  	s6 =	sshll.u32 s7, $0x6;
	s10 =	sadd.s32 s5, s3;
	s31 =	sshrl.u32 s4, $0x1  }
0xd: {  	s14 =	smul.u32 $0xC0, s7;
	s6 =	sadd.s32 s6, s3;
	s13 =	ssub.s32 s4, s31  }
0xe: {  	s7 =	sadd.s32 $0x3A00, s10;
	s8 =	sadd.s32 $0x3600, s10;
	s9 =	sadd.s32 $0x3400, s10  }
0xf: {  	s10 =	sadd.s32 $0x3800, s10;
	s3 =	sadd.s32 $0x2C00, s6;
	s4 =	sadd.s32 $0x2400, s6  }
0x10: {  	s5 =	sadd.s32 $0x1C00, s6;
	s6 =	sadd.s32 $0x1400, s6;
	s11 =	sadd.s32 s11, s14  }
0x11: {  	s12 =	sadd.s32 s12, s14;
	s13 =	smax.u32 s13, $0x1;
	s14 =	simm.s32 $0x1  }
.LBB2_1:
0x12: {  	[tilespmem:s2], [sflag:$0x1] =	stream.linear.gather [hbm4b:s3+s2], $0x200, $0x38;
	[tilespmem:$0x2400] =	vst v63  }
0x13: {  	_ =	swait.ge [sflag:s14], $0x200  }
0x14: {  	[sflag:s14] =	ssyncset.done $0x0  }
0x15: {  	[sflag:s14] =	ssyncadd.s32 $0xFFFFFE00  }
0x16: {  	[tilespmem:s15], [sflag:$0x1] =	stream.linear.gather [hbm4b:s4+s2], $0x200, $0x38;
	[tilespmem:$0x2400] =	vst v63  }
0x17: {  	_ =	swait.ge [sflag:s14], $0x200  }
0x18: {  	[sflag:s14] =	ssyncset.done $0x0  }
0x19: {  	[sflag:s14] =	ssyncadd.s32 $0xFFFFFE00  }
0x1a: {  	[tilespmem:s16], [sflag:$0x1] =	stream.linear.gather [hbm4b:s5+s2], $0x200, $0x38;
	[tilespmem:$0x2400] =	vst v63  }
0x1b: {  	_ =	swait.ge [sflag:s14], $0x200  }
0x1c: {  	[sflag:s14] =	ssyncset.done $0x0  }
0x1d: {  	[sflag:s14] =	ssyncadd.s32 $0xFFFFFE00  }
0x1e: {  	[tilespmem:s17], [sflag:$0x1] =	stream.linear.gather [hbm4b:s6+s2], $0x200, $0x38;
	[tilespmem:$0x2400] =	vst v63  }
0x1f: {  	_ =	swait.ge [sflag:s14], $0x200  }
0x20: {  	[sflag:s14] =	ssyncset.done $0x0  }
0x21: {  	[sflag:s14] =	ssyncadd.s32 $0xFFFFFE00  }
0x22: {  	[tilespmem:s18], [sflag:$0x1] =	stream.linear.gather [hbm4b:s7+s2], $0x400, $0x38;
	[tilespmem:$0x2400] =	vst v63  }
0x23: {  	_ =	swait.ge [sflag:s14], $0x400  }
0x24: {  	[sflag:s14] =	ssyncset.done $0x0  }
0x25: {  	[sflag:s14] =	ssyncadd.s32 $0xFFFFFC00  }
0x26: {  	[tilespmem:s19], [sflag:$0x1] =	stream.linear.gather [hbm4b:s8+s2], $0x400, $0x38;
	[tilespmem:$0x2400] =	vst v63  }
0x27: {  	_ =	swait.ge [sflag:s14], $0x400  }
0x28: {  	[sflag:s14] =	ssyncset.done $0x0  }
0x29: {  	[sflag:s14] =	ssyncadd.s32 $0xFFFFFC00  }
0x2a: {  	[tilespmem:s20], [sflag:$0x1] =	stream.linear.gather [hbm4b:s9+s2], $0x400, $0x38;
	[tilespmem:$0x2400] =	vst v63  }
0x2b: {  	_ =	swait.ge [sflag:s14], $0x400  }
0x2c: {  	[sflag:s14] =	ssyncset.done $0x0  }
0x2d: {  	[sflag:s14] =	ssyncadd.s32 $0xFFFFFC00  }
0x2e: {  	[tilespmem:s21], [sflag:$0x1] =	stream.linear.gather [hbm4b:s10+s2], $0x400, $0x38;
	[tilespmem:$0x2400] =	vst v63  }
0x2f: {  	_ =	swait.ge [sflag:s14], $0x400  }
0x30: {  	[sflag:s14] =	ssyncset.done $0x0  }
0x31: {  	s25 =	simm.s32 $0x0;
	[sflag:s14] =	ssyncadd.s32 $0xFFFFFC00  }
.LBB2_2:
0x32: {  	v0 =	vimm.s32 $0xFFFFFFFC  }
0x33: {  	v1 =	vimm.s32 $0xFFFFFFFD;
	v2 =	vimm.s32 $0xFFFFFFFE;
	v13 =	vimm.f32 $+Inf  }
0x34: {  	v14 =	vimm.s32 $0x0;
	v3 =	vimm.s32 $0xFFFFFFFF;
	v12 =	vimm.s32 $0x0  }
0x35: {  	v15 =	vimm.s32 $0x0;
	v16 =	vimm.f32 $+Inf;
	v17 =	vimm.f32 $+Inf  }
0x36: {  	v19 =	vimm.s32 $0x0;
	v18 =	vimm.s32 $0x0;
	v20 =	vimm.s32 $0x0  }
0x37: {  	s26 =	sshll.u32 s25, $0x4;
	v21 =	vimm.f32 $+Inf;
	v23 =	vimm.f32 $+Inf;
	v22 =	vimm.f32 $+Inf  }
0x38: {  	v24 =	vimm.s32 $0x0;
	v26 =	vimm.s32 $0x0;
	v29 =	vimm.s32 $0x0;
	v4 =	vld [tilespmem:s26+$0x0]  }
0x39: {  	v25 =	vimm.f32 $+Inf;
	v30 =	vimm.f32 $+Inf;
	v32 =	vimm.f32 $+Inf;
	v5 =	vld [tilespmem:s26+$0x200]  }
0x3a: {  	v27 =	vimm.s32 $0x0;
	v28 =	vimm.s32 $0x0;
	v35 =	vimm.s32 $0x0;
	v6 =	vld [tilespmem:s26+$0x400]  }
0x3b: {  	s28 =	simm.s32 $0x0;
	v31 =	vimm.f32 $+Inf;
	v33 =	vimm.f32 $+Inf;
	v34 =	vimm.f32 $+Inf;
	v7 =	vld [tilespmem:s26+$0x600]  }
.LBB2_3:
0x3c: {  	s29 =	sshra.s32 s28, $0x2  }
0x3d: {  	v10 =	vld [tilespmem:s29+$0x800]  }
0x3e: {  	v11 =	vld [tilespmem:s29+$0xC00]  }
0x3f: {  	v9 =	vld [tilespmem:s29+$0x1000];
	_ =	sdelay $0x3  }
0x40: {  	v8 =	vbroadcast v10, $0x0;
	v36 =	vbroadcast v11, $0x0  }
0x41: {  	v37 =	vbroadcast v9, $0x0;
	v50 =	vbroadcast v10, $0x1  }
0x42: {  	v51 =	vbroadcast v11, $0x1;
	v40 =	vbroadcast v9, $0x1  }
0x43: {  	v58 =	vbroadcast v10, $0x2;
	v42 =	vbroadcast v11, $0x2  }
0x44: {  	v38 =	vmul.f32 v8, v4;
	v36 =	vmul.f32 v36, v5  }
0x45: {  	v52 =	vadd.s32 $0x4, v0;
	v59 =	vbroadcast v9, $0x2;
	v48 =	vbroadcast v10, $0x3;
	v8 =	vld [tilespmem:s29+$0x1400]  }
0x46: {  	v49 =	vbroadcast v11, $0x3;
	v37 =	vmul.f32 v37, v6;
	v36 =	vadd.f32 v36, v38  }
0x47: {  	v63 =	vadd.s32 $0x4, v1;
	v43 =	vbroadcast v9, $0x4;
	v53 =	vmul.f32 v40, v6  }
0x48: {  	v60 =	vmul.f32 v58, v4;
	v61 =	vmul.f32 v42, v5;
	v36 =	vadd.f32 v37, v36  }
0x49: {  	v38 =	vmul.f32 v51, v5;
	v51 =	vadd.s32 $0x4, v2;
	v37 =	vmul.f32 v50, v4  }
0x4a: {  	v50 =	vbroadcast v9, $0x3;
	v39 =	vbroadcast v8, $0x0;
	v36 =	vadd.f32 v36, v7  }
0x4b: {  	v56 =	vbroadcast v8, $0x1;
	v47 =	vbroadcast v8, $0x2;
	v37 =	vadd.f32 v38, v37  }
0x4c: {  	v58 =	vbroadcast v8, $0x3;
	v38 =	vmul.f32 v59, v6;
	v36 =	vadd.f32 v36, v39  }
0x4d: {  	v37 =	vadd.f32 v53, v37;
	v39 =	vmul.f32 v49, v5;
	v49 =	vbroadcast v10, $0x5  }
0x4e: {  	vm0 =	vlt.f32 v36, v34;
	vm1 =	vlt.f32 v36, v33;
	vm2 =	vlt.f32 v36, v31  }
0x4f: {  	v37 =	vadd.f32 v37, v7;
	v54 =	vsel vm1, v33, v36;
	v41 =	vsel vm1, v28, v52  }
0x50: {  	v55 =	vsel vm0, v34, v36;
	v57 =	vsel vm0, v35, v52;
	v34 =	vsel vm0, v36, v34  }
0x51: {  	v35 =	vsel vm0, v52, v35;
	v36 =	vadd.f32 v61, v60;
	v31 =	vsel vm2, v54, v31  }
0x52: {  	v27 =	vsel vm2, v41, v27;
	v33 =	vsel vm1, v55, v33;
	v28 =	vsel vm1, v57, v28  }
0x53: {  	v37 =	vadd.f32 v37, v56;
	v56 =	vbroadcast v10, $0x4;
	v57 =	vbroadcast v11, $0x4  }
0x54: {  	v36 =	vadd.f32 v38, v36;
	v38 =	vmul.f32 v50, v6;
	v50 =	vbroadcast v11, $0x5  }
0x55: {  	vm7 =	vlt.f32 v37, v30;
	vm8 =	vlt.f32 v37, v25;
	vm9 =	vlt.f32 v37, v32  }
0x56: {  	v59 =	vmul.f32 v56, v4;
	v60 =	vmul.f32 v57, v5;
	v62 =	vsel vm7, v30, v37  }
0x57: {  	v44 =	vsel vm7, v26, v63;
	v45 =	vsel vm9, v32, v37;
	v46 =	vsel vm9, v29, v63  }
0x58: {  	v36 =	vadd.f32 v36, v7;
	v32 =	vsel vm9, v37, v32;
	v29 =	vsel vm9, v63, v29  }
0x59: {  	v37 =	vmul.f32 v48, v4;
	v63 =	vmul.f32 v43, v6;
	v25 =	vsel vm8, v62, v25  }
0x5a: {  	v24 =	vsel vm8, v44, v24;
	v30 =	vsel vm7, v45, v30;
	v36 =	vadd.f32 v36, v47  }
0x5b: {  	v26 =	vsel vm7, v46, v26;
	v62 =	vadd.s32 $0x4, v3;
	v37 =	vadd.f32 v39, v37  }
0x5c: {  	v47 =	vbroadcast v8, $0x4;
	vm10 =	vlt.f32 v36, v22;
	vm11 =	vlt.f32 v36, v23  }
0x5d: {  	vm12 =	vlt.f32 v36, v21;
	v37 =	vadd.f32 v38, v37;
	v38 =	vadd.f32 v60, v59  }
0x5e: {  	v59 =	vbroadcast v8, $0x5;
	v60 =	vbroadcast v10, $0x6;
	v52 =	vsel vm11, v23, v36  }
0x5f: {  	v53 =	vsel vm11, v18, v51;
	v54 =	vsel vm10, v22, v36;
	v55 =	vsel vm10, v20, v51  }
0x60: {  	v22 =	vsel vm10, v36, v22;
	v20 =	vsel vm10, v51, v20;
	v51 =	vbroadcast v9, $0x5  }
0x61: {  	v21 =	vsel vm12, v52, v21;
	v19 =	vsel vm12, v53, v19;
	v23 =	vsel vm11, v54, v23  }
0x62: {  	v37 =	vadd.f32 v37, v7;
	v18 =	vsel vm11, v55, v18;
	v38 =	vadd.f32 v63, v38  }
0x63: {  	v52 =	vmul.f32 v49, v4;
	v53 =	vmul.f32 v50, v5;
	v55 =	vadd.s32 $0x8, v0  }
0x64: {  	v63 =	vadd.s32 $0x8, v1;
	v49 =	vbroadcast v11, $0x7;
	v50 =	vbroadcast v8, $0x6  }
0x65: {  	v39 =	vmul.f32 v51, v6;
	v51 =	vbroadcast v9, $0x7;
	v61 =	vadd.f32 v37, v58  }
0x66: {  	v38 =	vadd.f32 v38, v7;
	v36 =	vadd.f32 v53, v52;
	v53 =	vmul.f32 v49, v5  }
0x67: {  	v49 =	vadd.s32 $0x8, v3;
	vm13 =	vlt.f32 v61, v17;
	vm14 =	vlt.f32 v61, v16  }
0x68: {  	vm15 =	vlt.f32 v61, v13;
	v38 =	vadd.f32 v38, v47;
	v36 =	vadd.f32 v39, v36  }
0x69: {  	v44 =	vsel vm14, v16, v61;
	v45 =	vsel vm14, v12, v62;
	v46 =	vsel vm13, v17, v61  }
0x6a: {  	v48 =	vsel vm13, v15, v62;
	v17 =	vsel vm13, v61, v17;
	v15 =	vsel vm13, v62, v15  }
0x6b: {  	v61 =	vbroadcast v11, $0x6;
	v62 =	vbroadcast v9, $0x6;
	v13 =	vsel vm15, v44, v13  }
0x6c: {  	v14 =	vsel vm15, v45, v14;
	v16 =	vsel vm14, v46, v16;
	v12 =	vsel vm14, v48, v12  }
0x6d: {  	vm4 =	vlt.f32 v38, v33;
	vm5 =	vlt.f32 v38, v31;
	vm6 =	vlt.f32 v38, v34  }
0x6e: {  	v36 =	vadd.f32 v36, v7;
	v48 =	vbroadcast v10, $0x7;
	v54 =	vsel vm4, v33, v38  }
0x6f: {  	v56 =	vsel vm4, v28, v55;
	v57 =	vsel vm6, v34, v38;
	v58 =	vsel vm6, v35, v55  }
0x70: {  	v34 =	vsel vm6, v38, v34;
	v35 =	vsel vm6, v55, v35;
	v38 =	vmul.f32 v60, v4  }
0x71: {  	v39 =	vmul.f32 v61, v5;
	v37 =	vmul.f32 v62, v6;
	v55 =	vadd.s32 $0x8, v2  }
0x72: {  	v60 =	vbroadcast v8, $0x7;
	v62 =	vbroadcast v10, $0x8;
	v31 =	vsel vm5, v54, v31  }
0x73: {  	v27 =	vsel vm5, v56, v27;
	v33 =	vsel vm4, v57, v33;
	v36 =	vadd.f32 v36, v59  }
0x74: {  	v28 =	vsel vm4, v58, v28;
	v52 =	vmul.f32 v48, v4;
	v56 =	vmul.f32 v51, v6  }
0x75: {  	v38 =	vadd.f32 v39, v38;
	vm7 =	vlt.f32 v36, v32;
	vm8 =	vlt.f32 v36, v30  }
0x76: {  	vm9 =	vlt.f32 v36, v25;
	v44 =	vsel vm8, v30, v36;
	v45 =	vsel vm8, v26, v63  }
0x77: {  	v46 =	vsel vm7, v32, v36;
	v37 =	vadd.f32 v37, v38;
	v47 =	vsel vm7, v29, v63  }
0x78: {  	v32 =	vsel vm7, v36, v32;
	v29 =	vsel vm7, v63, v29;
	v38 =	vadd.f32 v53, v52  }
0x79: {  	v63 =	vbroadcast v11, $0x8;
	v53 =	vbroadcast v8, $0x8;
	v24 =	vsel vm9, v45, v24  }
0x7a: {  	v30 =	vsel vm8, v46, v30;
	v26 =	vsel vm8, v47, v26;
	v45 =	vbroadcast v9, $0x8  }
0x7b: {  	v46 =	vmul.f32 v62, v4;
	v62 =	vbroadcast v10, $0xA;
	v37 =	vadd.f32 v37, v7  }
0x7c: {  	v38 =	vadd.f32 v56, v38;
	v47 =	vmul.f32 v63, v5;
	v56 =	vbroadcast v9, $0x9  }
0x7d: {  	v25 =	vsel vm9, v44, v25;
	v63 =	vbroadcast v11, $0xA;
	v39 =	vmul.f32 v45, v6  }
0x7e: {  	v45 =	vbroadcast v8, $0x9;
	v54 =	vadd.f32 v37, v50;
	v38 =	vadd.f32 v38, v7  }
0x7f: {  	v36 =	vadd.f32 v47, v46;
	v37 =	vmul.f32 v56, v6;
	v46 =	vbroadcast v9, $0xA  }
0x80: {  	v47 =	vmul.f32 v62, v4;
	v62 =	vadd.s32 $0xC, v2;
	v2 =	vadd.s32 $0x10, v2  }
0x81: {  	vm10 =	vlt.f32 v54, v22;
	vm11 =	vlt.f32 v54, v23;
	vm12 =	vlt.f32 v54, v21  }
0x82: {  	v38 =	vadd.f32 v38, v60;
	v36 =	vadd.f32 v39, v36;
	v57 =	vsel vm11, v23, v54  }
0x83: {  	v58 =	vsel vm11, v18, v55;
	v59 =	vsel vm10, v22, v54;
	v61 =	vsel vm10, v20, v55  }
0x84: {  	v22 =	vsel vm10, v54, v22;
	v20 =	vsel vm10, v55, v20;
	v54 =	vbroadcast v10, $0x9  }
0x85: {  	v55 =	vbroadcast v11, $0x9;
	v21 =	vsel vm12, v57, v21;
	v19 =	vsel vm12, v58, v19  }
0x86: {  	v23 =	vsel vm11, v59, v23;
	v18 =	vsel vm11, v61, v18;
	vm13 =	vlt.f32 v38, v16  }
0x87: {  	vm14 =	vlt.f32 v38, v13;
	vm15 =	vlt.f32 v38, v17;
	v36 =	vadd.f32 v36, v7  }
0x88: {  	v57 =	vadd.s32 $0xC, v0;
	v0 =	vadd.s32 $0x10, v0;
	v48 =	vsel vm13, v16, v38  }
0x89: {  	v50 =	vsel vm13, v12, v49;
	v51 =	vsel vm15, v17, v38;
	v52 =	vsel vm15, v15, v49  }
0x8a: {  	v17 =	vsel vm15, v38, v17;
	v15 =	vsel vm15, v49, v15;
	v38 =	vmul.f32 v54, v4  }
0x8b: {  	v39 =	vmul.f32 v55, v5;
	v55 =	vbroadcast v8, $0xA;
	v13 =	vsel vm14, v48, v13  }
0x8c: {  	v14 =	vsel vm14, v50, v14;
	v16 =	vsel vm13, v51, v16;
	v12 =	vsel vm13, v52, v12  }
0x8d: {  	v36 =	vadd.f32 v36, v53;
	v48 =	vmul.f32 v63, v5;
	v50 =	vadd.s32 $0xC, v1  }
0x8e: {  	v51 =	vmul.f32 v46, v6;
	v1 =	vadd.s32 $0x10, v1;
	v38 =	vadd.f32 v39, v38  }
0x8f: {  	vm4 =	vlt.f32 v36, v34;
	vm5 =	vlt.f32 v36, v33;
	vm6 =	vlt.f32 v36, v31  }
0x90: {  	v58 =	vsel vm5, v33, v36;
	v59 =	vsel vm5, v28, v57;
	v60 =	vsel vm4, v34, v36  }
0x91: {  	v37 =	vadd.f32 v37, v38;
	v61 =	vsel vm4, v35, v57;
	v34 =	vsel vm4, v36, v34  }
0x92: {  	v35 =	vsel vm4, v57, v35;
	v38 =	vadd.f32 v48, v47;
	v57 =	vbroadcast v10, $0xB  }
0x93: {  	v47 =	vbroadcast v8, $0xB;
	v48 =	vbroadcast v10, $0xC;
	v31 =	vsel vm6, v58, v31  }
0x94: {  	v27 =	vsel vm6, v59, v27;
	v33 =	vsel vm5, v60, v33;
	v58 =	vbroadcast v11, $0xB  }
0x95: {  	v59 =	vbroadcast v9, $0xB;
	v37 =	vadd.f32 v37, v7;
	v60 =	vmul.f32 v57, v4  }
0x96: {  	v38 =	vadd.f32 v51, v38;
	v51 =	vmul.f32 v48, v4;
	v57 =	vbroadcast v10, $0xD  }
0x97: {  	v28 =	vsel vm5, v61, v28;
	v61 =	vmul.f32 v58, v5;
	v39 =	vmul.f32 v59, v6  }
0x98: {  	v58 =	vbroadcast v11, $0xD;
	v59 =	vbroadcast v8, $0xC;
	v49 =	vadd.f32 v37, v45  }
0x99: {  	v38 =	vadd.f32 v38, v7;
	v36 =	vadd.f32 v61, v60;
	v60 =	vbroadcast v9, $0xD  }
0x9a: {  	v40 =	vmul.f32 v58, v5;
	vm7 =	vlt.f32 v49, v32;
	vm8 =	vlt.f32 v49, v30  }
0x9b: {  	vm9 =	vlt.f32 v49, v25;
	v38 =	vadd.f32 v38, v55;
	v52 =	vsel vm8, v30, v49  }
0x9c: {  	v53 =	vsel vm8, v26, v50;
	v54 =	vsel vm7, v32, v49;
	v56 =	vsel vm7, v29, v50  }
0x9d: {  	v32 =	vsel vm7, v49, v32;
	v29 =	vsel vm7, v50, v29;
	v36 =	vadd.f32 v39, v36  }
0x9e: {  	v49 =	vbroadcast v11, $0xC;
	v50 =	vbroadcast v9, $0xC;
	v25 =	vsel vm9, v52, v25  }
0x9f: {  	v24 =	vsel vm9, v53, v24;
	v30 =	vsel vm8, v54, v30;
	v26 =	vsel vm8, v56, v26  }
0xa0: {  	vm10 =	vlt.f32 v38, v22;
	vm11 =	vlt.f32 v38, v23;
	vm12 =	vlt.f32 v38, v21  }
0xa1: {  	v53 =	vadd.s32 $0xC, v3;
	v3 =	vadd.s32 $0x10, v3;
	v63 =	vsel vm11, v23, v38  }
0xa2: {  	v44 =	vsel vm11, v18, v62;
	v45 =	vsel vm10, v22, v38;
	v46 =	vsel vm10, v20, v62  }
0xa3: {  	v36 =	vadd.f32 v36, v7;
	v52 =	vmul.f32 v49, v5;
	v22 =	vsel vm10, v38, v22  }
0xa4: {  	v20 =	vsel vm10, v62, v20;
	v39 =	vmul.f32 v50, v6;
	v49 =	vbroadcast v9, $0xE  }
0xa5: {  	v9 =	vbroadcast v9, $0xF;
	v21 =	vsel vm12, v63, v21;
	v23 =	vsel vm11, v45, v23  }
0xa6: {  	v18 =	vsel vm11, v46, v18;
	v63 =	vmul.f32 v60, v6;
	v45 =	vbroadcast v8, $0xD  }
0xa7: {  	v46 =	vbroadcast v10, $0xE;
	v10 =	vbroadcast v10, $0xF;
	v36 =	vadd.f32 v36, v47  }
0xa8: {  	v54 =	vadd.f32 v52, v51;
	v47 =	vbroadcast v11, $0xE;
	v51 =	vmul.f32 v49, v6  }
0xa9: {  	v19 =	vsel vm12, v44, v19;
	v11 =	vbroadcast v11, $0xF;
	v9 =	vmul.f32 v9, v6  }
0xaa: {  	v10 =	vmul.f32 v10, v4;
	vm13 =	vlt.f32 v36, v16;
	vm14 =	vlt.f32 v36, v17  }
0xab: {  	v38 =	vadd.f32 v39, v54;
	v39 =	vmul.f32 v57, v4;
	v54 =	vbroadcast v8, $0xE  }
0xac: {  	vm15 =	vlt.f32 v36, v13;
	v11 =	vmul.f32 v11, v5;
	v8 =	vbroadcast v8, $0xF  }
0xad: {  	v55 =	vsel vm13, v16, v36;
	v56 =	vsel vm13, v12, v53;
	v61 =	vsel vm14, v17, v36  }
0xae: {  	v62 =	vsel vm14, v15, v53;
	v17 =	vsel vm14, v36, v17;
	v15 =	vsel vm14, v53, v15  }
0xaf: {  	v36 =	vmul.f32 v46, v4;
	v13 =	vsel vm15, v55, v13;
	v38 =	vadd.f32 v38, v7  }
0xb0: {  	v14 =	vsel vm15, v56, v14;
	v39 =	vadd.f32 v40, v39;
	v40 =	vmul.f32 v47, v5  }
0xb1: {  	v16 =	vsel vm13, v61, v16;
	v10 =	vadd.f32 v11, v10;
	v38 =	vadd.f32 v38, v59  }
0xb2: {  	v12 =	vsel vm13, v62, v12;
	v43 =	vadd.f32 v63, v39;
	v36 =	vadd.f32 v40, v36  }
0xb3: {  	v9 =	vadd.f32 v9, v10;
	vm4 =	vlt.f32 v38, v33;
	vm5 =	vlt.f32 v38, v31  }
0xb4: {  	vm6 =	vlt.f32 v38, v34;
	v37 =	vadd.f32 v43, v7;
	v36 =	vadd.f32 v51, v36  }
0xb5: {  	v9 =	vadd.f32 v9, v7;
	v42 =	vsel vm4, v33, v38;
	v44 =	vsel vm4, v28, v0  }
0xb6: {  	v48 =	vsel vm6, v34, v38;
	v50 =	vsel vm6, v35, v0;
	v34 =	vsel vm6, v38, v34  }
0xb7: {  	v35 =	vsel vm6, v0, v35;
	v31 =	vsel vm5, v42, v31;
	v37 =	vadd.f32 v37, v45  }
0xb8: {  	v27 =	vsel vm5, v44, v27;
	v33 =	vsel vm4, v48, v33;
	v36 =	vadd.f32 v36, v7  }
0xb9: {  	v28 =	vsel vm4, v50, v28;
	v8 =	vadd.f32 v9, v8;
	vm7 =	vlt.f32 v37, v30  }
0xba: {  	vm8 =	vlt.f32 v37, v25;
	vm9 =	vlt.f32 v37, v32;
	v36 =	vadd.f32 v36, v54  }
0xbb: {  	vm13 =	vlt.f32 v8, v16;
	vm14 =	vlt.f32 v8, v17;
	vm15 =	vlt.f32 v8, v13  }
0xbc: {  	v52 =	vsel vm7, v30, v37;
	v53 =	vsel vm7, v26, v1;
	v55 =	vsel vm9, v32, v37  }
0xbd: {  	v56 =	vsel vm9, v29, v1;
	v32 =	vsel vm9, v37, v32;
	v29 =	vsel vm9, v1, v29  }
0xbe: {  	v9 =	vsel vm13, v16, v8;
	v61 =	vsel vm13, v12, v3;
	v62 =	vsel vm14, v17, v8  }
0xbf: {  	v63 =	vsel vm14, v15, v3;
	v17 =	vsel vm14, v8, v17;
	v15 =	vsel vm14, v3, v15  }
0xc0: {  	v25 =	vsel vm8, v52, v25;
	v24 =	vsel vm8, v53, v24;
	v30 =	vsel vm7, v55, v30  }
0xc1: {  	p0 =	sne.s32 s28, $0xFC0;
	v26 =	vsel vm7, v56, v26;
	vm10 =	vlt.f32 v36, v23;
	vm11 =	vlt.f32 v36, v21  }
.Ltmp0:
0xc2: {  	vm12 =	vlt.f32 v36, v22;
	v13 =	vsel vm15, v9, v13;
	v14 =	vsel vm15, v61, v14;
	(pc) =	sbr.rel @p0 .LBB2_3-.Ltmp0, $4  }
0xc3: {  	v16 =	vsel vm13, v62, v16;
	v12 =	vsel vm13, v63, v12;
	v57 =	vsel vm10, v23, v36  }
0xc4: {  	v58 =	vsel vm10, v18, v2;
	v59 =	vsel vm12, v22, v36;
	v60 =	vsel vm12, v20, v2  }
0xc5: {  	v22 =	vsel vm12, v36, v22;
	v20 =	vsel vm12, v2, v20;
	v21 =	vsel vm11, v57, v21  }
0xc6: {  	s28 =	sadd.s32 $0x40, s28;
	v19 =	vsel vm11, v58, v19;
	v23 =	vsel vm10, v59, v23;
	v18 =	vsel vm10, v60, v18  }
0xc7: {  	vm0 =	veq.f32 v34, v32;
	vm1 =	vlt.s32 v35, v29  }
0xc8: {  	vm2 =	vlt.f32 v34, v32;
	vm0 =	vmand vm0, vm1  }
0xc9: {  	vm0 =	vmor vm2, vm0  }
0xca: {  	vm15 =	veq.f32 v22, v17;
	vm4 =	vlt.s32 v20, v15;
	v1 =	vsel vm0, v33, v34  }
0xcb: {  	v2 =	vsel vm0, v28, v35;
	v3 =	vsel vm0, v32, v30;
	v4 =	vsel vm0, v29, v26  }
0xcc: {  	vm7 =	vlt.f32 v22, v17;
	vm10 =	veq.f32 v1, v3;
	vm11 =	vlt.s32 v2, v4  }
0xcd: {  	v6 =	vsel vm0, v31, v33;
	vm12 =	vlt.f32 v1, v3;
	vm1 =	vmand vm10, vm11  }
0xce: {  	v7 =	vsel vm0, v27, v28;
	v8 =	vsel vm0, v30, v25;
	vm1 =	vmor vm12, vm1  }
0xcf: {  	v9 =	vsel vm0, v26, v24;
	v10 =	vsel vm1, v1, v3;
	v1 =	vsel vm1, v6, v1  }
0xd0: {  	v40 =	vsel vm1, v7, v2;
	v3 =	vsel vm1, v3, v8;
	v41 =	vsel vm1, v4, v9  }
0xd1: {  	v0 =	vsel vm0, v34, v32;
	vm14 =	veq.f32 v1, v3;
	vm3 =	vlt.s32 v40, v41  }
0xd2: {  	vm13 =	vlt.f32 v1, v3;
	vm2 =	vmand vm14, vm3;
	vm3 =	vmand vm15, vm4  }
0xd3: {  	v5 =	vsel vm0, v35, v29;
	vm0 =	vmor vm13, vm2;
	vm8 =	vmor vm7, vm3  }
0xd4: {  	v1 =	vsel vm0, v1, v3;
	v42 =	vsel vm0, v40, v41;
	v43 =	vsel vm8, v22, v17  }
0xd5: {  	v44 =	vsel vm8, v23, v22;
	v45 =	vsel vm8, v18, v20;
	v46 =	vsel vm8, v17, v16  }
0xd6: {  	v47 =	vsel vm8, v15, v12;
	v11 =	vsel vm8, v20, v15;
	v48 =	vsel vm8, v21, v23  }
0xd7: {  	v49 =	vsel vm8, v19, v18;
	v13 =	vsel vm8, v16, v13;
	v50 =	vsel vm8, v12, v14  }
0xd8: {  	vm9 =	veq.f32 v44, v46;
	vm10 =	vlt.s32 v45, v47;
	vm11 =	vlt.f32 v44, v46  }
0xd9: {  	vm14 =	veq.f32 v0, v43;
	vm15 =	vlt.s32 v5, v11;
	vm0 =	vmand vm9, vm10  }
0xda: {  	vm8 =	vlt.f32 v0, v43;
	vm7 =	vmand vm14, vm15;
	vm2 =	vmor vm11, vm0  }
0xdb: {  	v2 =	vsel vm1, v2, v4;
	vm0 =	vmor vm8, vm7;
	v51 =	vsel vm2, v48, v44  }
0xdc: {  	v13 =	vsel vm2, v46, v13;
	v52 =	vsel vm2, v49, v45;
	v12 =	vsel vm2, v47, v50  }
0xdd: {  	v6 =	vsel vm2, v44, v46;
	v7 =	vsel vm2, v45, v47;
	v53 =	vsel vm0, v10, v0  }
0xde: {  	v54 =	vsel vm0, v2, v5;
	v1 =	vsel vm0, v1, v10;
	v2 =	vsel vm0, v42, v2  }
0xdf: {  	v0 =	vsel vm0, v0, v43;
	vm12 =	veq.f32 v51, v13;
	vm13 =	vlt.s32 v52, v12  }
0xe0: {  	vm9 =	vlt.f32 v51, v13;
	v55 =	vsel vm0, v43, v6;
	v56 =	vsel vm0, v11, v7  }
0xe1: {  	vm1 =	vmand vm12, vm13;
	vm10 =	veq.f32 v53, v55;
	vm11 =	vlt.s32 v54, v56  }
0xe2: {  	vm12 =	vlt.f32 v53, v55;
	vm1 =	vmor vm9, vm1;
	vm2 =	vmand vm10, vm11  }
0xe3: {  	v13 =	vsel vm1, v51, v13;
	v12 =	vsel vm1, v52, v12;
	vm1 =	vmor vm12, vm2  }
0xe4: {  	v57 =	vsel vm0, v6, v13;
	v58 =	vsel vm0, v7, v12;
	v1 =	vsel vm1, v1, v53  }
0xe5: {  	s25 =	sadd.s32 $0x1, s25;
	v2 =	vsel vm1, v2, v54;
	v3 =	vsel vm1, v55, v57;
	v6 =	vsel vm1, v56, v58  }
0xe6: {  	p0 =	sne.s32 s25, $0x20;
	v61 =	vsel vm0, v5, v11;
	[tilespmem:s26+$0x1800] =	vst v0;
	vm13 =	veq.f32 v1, v3;
	vm14 =	vlt.s32 v2, v6  }
.Ltmp1:
0xe7: {  	[tilespmem:s26+$0x1E00] =	vst v61;
	v59 =	vsel vm1, v53, v55;
	vm15 =	vlt.f32 v1, v3;
	vm2 =	vmand vm13, vm14;
	(pc) =	sbr.rel @p0 .LBB2_2-.Ltmp1, $4  }
0xe8: {  	v62 =	vsel vm1, v54, v56;
	[tilespmem:s26+$0x1A00] =	vst v59;
	vm2 =	vmor vm15, vm2  }
0xe9: {  	[tilespmem:s26+$0x2000] =	vst v62;
	v60 =	vsel vm2, v1, v3  }
0xea: {  	v63 =	vsel vm2, v2, v6;
	[tilespmem:s26+$0x1C00] =	vst v60  }
0xeb: {  	[tilespmem:s26+$0x2200] =	vst v63  }
0xec: {  	[hbm4b:s11+s2] =	stream.linear.scatter [tilespmem:s22], [sflag:$0x1], $0x600, $0x38;
	[tilespmem:$0x2400] =	vst v63  }
0xed: {  	s24 =	sadd.s32 $0x1, s24;
	_ =	swait.ge [sflag:s14], $0x600  }
0xee: {  	p0 =	sne.s32 s24, s13;
	[sflag:s14] =	ssyncset.done $0x0  }
.Ltmp2:
0xef: {  	[sflag:s14] =	ssyncadd.s32 $0xFFFFFA00;
	(pc) =	sbr.rel @p0 .LBB2_1-.Ltmp2, $4  }
0xf0: {  	[hbm4b:s12+s2] =	stream.linear.scatter [tilespmem:s23], [sflag:$0x1], $0x600, $0x38;
	[tilespmem:$0x2400] =	vst v63  }
0xf1: {  	_ =	swait.ge [sflag:s14], $0x600  }
0xf2: {  	[sflag:s14] =	ssyncset.done $0x0  }
0xf3: {  	[sflag:s14] =	ssyncadd.s32 $0xFFFFFA00  }
0xf4: {  	_ =	sfence.sel $0x180000  }
0xf5: {  	[bflag:$0x0] =	sbarrier.arrive $0xFFFF  }
0xf6: {  	p0 =	sne.s32 s1, $0x0;
	_ =	strace $0x90000047  }
0xf7: {  	s0 =	sadd.s32 @!p0 $0x100000, s0;
	[bflag:$0x2] =	sbarrier.arrive $0xFFFF  }
0xf8: {  	[sflag:s0] =	ssyncadd.tile.s32 @!p0 $0x1;
	_ =	shalt  }
.Lfunc_end2:
_tile_overlayer_lowered:
.L_overlay_start_2:
0xf9: {  	(tag) =	ssettag $0x2  }
0xfa: {  	s0 =	rddreg [dreg:$0x0];
	s2 =	stileid.u32  }
0xfb: {  	s1 =	rddreg [dreg:$0x1];
	p0 =	sne.s32 s2, $0x0  }
0xfc: {  	s3 =	rddreg [dreg:$0x2];
	[bflag:$0x3] =	sbarrier.arrive $0xFFFF;
	s2 =	simm.s32 @!p0 $0x1C01  }
0xfd: {  	[timem:s3], [sflag:s2] =	dma.local @!p0 [hbm:s0], s1  }
0xfe: {  	s0 =	simm.s32 @!p0 $0x1  }
0xff: {  	_ =	swait.ge @!p0 [sflag:s0], s1  }
0x100: {  	s1 =	ssub.s32 @!p0 $0x0, s1;
	[sflag:s0] =	ssyncset.done @!p0 $0x0  }
0x101: {  	[sflag:s0] =	ssyncadd.s32 @!p0 s1  }
0x102: {  	[bflag:$0x3] =	sbarrier.arrive $0xFFFF  }
0x103: {  	_ =	shalt  }

</sc_bundles>
